<compile_context>
chip_gen: v7x
topology: tpu7x:2x2x1
jax: 0.10.2.dev20260603
libtpu: 0.0.44.dev20260713+nightly
codegen_flags: <defaults>
</compile_context>

<pallas_src>
import functools

import jax
import jax.numpy as jnp
from jax import lax
from jax.experimental import pallas as pl
from jax.experimental.pallas import tpu as pltpu
from jax.experimental.pallas import tpu_sc as plsc

NC = 2
NS = 16
L = 16
NW = NC * NS

B = 4096
S = 200
D = 64
DV = D // L

BPW = B // NW

CH0 = 128
CH1 = S - CH0


R_UNROLL = 8

VOC = 1000000
TBLK = 8192
NBLK = 31
Q = NBLK * TBLK
DP = D // 2
NBLK_IN_MAX = VOC // TBLK


def _tr_body(*refs):
    dst_ref = refs[-1]
    rnd = jnp.int32(1 << 15)

    def pack(q):
        lo_ref, hi_ref = refs[2 * q], refs[2 * q + 1]
        lo = lax.shift_right_logical(
            lax.bitcast_convert_type(lo_ref[...], jnp.int32) + rnd, 16)
        hi = ((lax.bitcast_convert_type(hi_ref[...], jnp.int32) + rnd)
              & jnp.int32(-65536))
        return hi | lo

    parts = [
        jnp.transpose(
            jnp.concatenate([pack(qa), pack(qb)], axis=0), (1, 0))
        for qa, qb in ((0, 1), (2, 3))]
    dst_ref[...] = lax.bitcast_convert_type(
        jnp.concatenate(parts, axis=1), jnp.float32)


def _transpose(embT):
    def spec(q, h):
        return pl.BlockSpec(
            (DP, TBLK), lambda i: (h, jnp.minimum(q * NBLK + i, NBLK_IN_MAX)))

    return pl.pallas_call(
        _tr_body,
        grid=(NBLK,),
        in_specs=[spec(q, h) for q in range(4) for h in range(2)],
        out_specs=pl.BlockSpec((TBLK, 2 * D), lambda i: (i, 0)),
        out_shape=jax.ShapeDtypeStruct((Q, 2 * D), jnp.float32),
    )(*([embT] * 8))


def _pool_body(x_hbm, emb_hbm, out_hbm, xv, buf0, buf1, out_v, sem0, sem1):
    wid = lax.axis_index("s") * NC + lax.axis_index("c")
    base = wid * BPW

    pltpu.sync_copy(x_hbm.at[pl.ds(base * S, BPW * S)], xv)

    @pl.loop(0, BPW * S // L, unroll=8)
    def _(i):
        v = xv[pl.ds(i * L, L)]
        q = ((v >= Q).astype(jnp.int32) + (v >= 2 * Q).astype(jnp.int32)
             + (v >= 3 * Q).astype(jnp.int32))
        xv[pl.ds(i * L, L)] = ((v - q * Q) << 2) + q

    bufs = (buf0, buf1)
    sems = (sem0, sem1)

    def copies(b, k):
        o = b * S
        return (
            pltpu.make_async_copy(
                emb_hbm.at[xv.at[pl.ds(o, CH0)]],
                bufs[k].at[pl.ds(0, CH0)], sems[k]),
            pltpu.make_async_copy(
                emb_hbm.at[xv.at[pl.ds(o + CH0, CH1)]],
                bufs[k].at[pl.ds(CH0, CH1)], sems[k]),
        )

    def issue(b, k):
        for c in copies(b, k):
            c.start()

    issue(0, 0)
    scale = jnp.float32(1.0 / S)

    @pl.loop(0, BPW, step=2)
    def _(b):
        for k in range(2):
            bb = b + k
            nxt = bb + 1

            @pl.when(nxt < BPW)
            def _():
                issue(nxt, (k + 1) % 2)

            for c in copies(bb, k):
                c.wait()

            buf = bufs[k]

            def rbody(r, accs):
                a = list(accs)
                for g in range(R_UNROLL // 4):
                    row0 = r * R_UNROLL + g * 4
                    for j in range(DV // 2):
                        s = plsc.bitcast(buf[row0, pl.ds(j * L, L)],
                                         jnp.bfloat16)
                        for rr in range(1, 4):
                            s = s + plsc.bitcast(
                                buf[row0 + rr, pl.ds(j * L, L)],
                                jnp.bfloat16)
                        ae, ao = plsc.unpack(
                            s, format=plsc.PackFormat.INTERLEAVED)
                        a[2 * j] = a[2 * j] + ae
                        a[2 * j + 1] = a[2 * j + 1] + ao
                return tuple(a)

            accs = lax.fori_loop(
                0, S // R_UNROLL, rbody,
                tuple(jnp.zeros((L,), jnp.float32) for _ in range(DV)))
            for j in range(DV):
                out_v[bb, pl.ds(j * L, L)] = accs[j] * scale

    pltpu.sync_copy(out_v, out_hbm.at[pl.ds(base, BPW)])


@functools.lru_cache(maxsize=1)
def _pool():
    return pl.kernel(
        _pool_body,
        out_type=jax.ShapeDtypeStruct((B, D), jnp.float32),
        mesh=plsc.VectorSubcoreMesh(
            core_axis_name="c", subcore_axis_name="s",
            num_cores=NC, num_subcores=NS),
        scratch_types=[
            pltpu.VMEM((BPW * S,), jnp.int32),
            pltpu.VMEM((S, DP), jnp.float32),
            pltpu.VMEM((S, DP), jnp.float32),
            pltpu.VMEM((BPW, D), jnp.float32),
            pltpu.SemaphoreType.DMA,
            pltpu.SemaphoreType.DMA,
        ],
        compiler_params=pltpu.CompilerParams(
            use_tc_tiling_on_sc=False, needs_layout_passes=False),
    )


def _mlp_body(p_ref, w1t_ref, b1_ref, w2t_ref, b2_ref, w3t_ref, b3_ref, o_ref):
    h = jnp.maximum(
        jnp.dot(p_ref[...], w1t_ref[...], preferred_element_type=jnp.float32)
        + b1_ref[...], 0.0)
    h = jnp.maximum(
        jnp.dot(h, w2t_ref[...], preferred_element_type=jnp.float32)
        + b2_ref[...], 0.0)
    logits = (jnp.dot(h, w3t_ref[...], preferred_element_type=jnp.float32)
              + b3_ref[...])
    m = jnp.max(logits, axis=1, keepdims=True)
    e = jnp.exp(logits - m)
    o_ref[...] = e / jnp.sum(e, axis=1, keepdims=True)


def _mlp(pooled, w1t, b1p, w2t, b2p, w3t, b3p):
    return pl.pallas_call(
        _mlp_body,
        out_shape=jax.ShapeDtypeStruct((B, 128), jnp.float32),
    )(pooled, w1t, b1p, w2t, b2p, w3t, b3p)


def kernel(x, emb, w1, b1, w2, b2, w3, b3):
    x = x.astype(jnp.int32).reshape(B * S)
    emb2 = _transpose(emb.T)
    pooled = _pool()(x, emb2.reshape(4 * Q, DP))

    perm = (list(range(0, 16)) + list(range(32, 48))
            + list(range(16, 32)) + list(range(48, 64)))
    w1 = w1[:, jnp.array(perm, dtype=jnp.int32)]

    w1t = w1.T
    b1p = b1.reshape(1, 128)
    w2t = jnp.zeros((128, 128), jnp.float32).at[:, :32].set(w2.T)
    b2p = jnp.zeros((1, 128), jnp.float32).at[0, :32].set(b2)
    w3t = jnp.zeros((128, 128), jnp.float32).at[:32, :10].set(w3.T)
    b3p = jnp.full((1, 128), -1e30, jnp.float32).at[0, :10].set(b3)

    out = _mlp(pooled, w1t, b1p, w2t, b2p, w3t, b3p)
    return out[:, :10]

# --- scband reference (transcript-rebuilt; emitter-appended) ---
"""Pipeline reference for scband-neural-network-75393855914636 (READ-ONLY COPY).

The authoritative reference and input builder live on the scoring server;
editing this copy changes nothing except your own understanding.
"""

import jax, jax.numpy as jnp
import numpy as np

VOCAB = 1000000
EMBED = 64
NUM_CLASSES = 10
BATCH = 4096
SEQ = 200


def setup_inputs(seed: int = 0) -> dict:
    key = jax.random.key(seed)
    ks = jax.random.split(key, 8)
    x = jax.random.randint(ks[0], (BATCH, SEQ), 0, VOCAB, dtype=jnp.int64 if jax.config.jax_enable_x64 else jnp.int32)
    emb = jax.random.normal(ks[1], (VOCAB, EMBED), dtype=jnp.float32) * 0.02
    w1 = jax.random.normal(ks[2], (128, EMBED), dtype=jnp.float32) * (1.0 / np.sqrt(EMBED))
    b1 = jnp.zeros((128,), dtype=jnp.float32)
    w2 = jax.random.normal(ks[3], (32, 128), dtype=jnp.float32) * (1.0 / np.sqrt(128.0))
    b2 = jnp.zeros((32,), dtype=jnp.float32)
    w3 = jax.random.normal(ks[4], (NUM_CLASSES, 32), dtype=jnp.float32) * (1.0 / np.sqrt(32.0))
    b3 = jnp.zeros((NUM_CLASSES,), dtype=jnp.float32)
    return {"x": x, "emb": emb, "w1": w1, "b1": b1, "w2": w2, "b2": b2, "w3": w3, "b3": b3}


def reference(x, emb, w1, b1, w2, b2, w3, b3):
    # nn.Embedding lookup: gather rows of the table
    embedded = jnp.take(emb, x, axis=0)            # [B, L, D]
    # permute(0,2,1) + AdaptiveAvgPool1d(1) + squeeze(2) == mean over sequence dim
    pooled = jnp.mean(embedded, axis=1)            # [B, D]
    h = jax.nn.relu(pooled @ w1.T + b1)            # [B, 128]
    h = jax.nn.relu(h @ w2.T + b2)                 # [B, 32]
    logits = h @ w3.T + b3                         # [B, num_classes]
    out = jax.nn.softmax(logits, axis=1)
    return out

if __name__ == "__main__":
    import jax
    _d = setup_inputs()
    print(jax.jit(kernel)(*tuple(_d.values())))

</pallas_src>

<mosaic_0001>
#map = affine_map<(d0, d1) -> (0)>
#map1 = affine_map<(d0, d1) -> (0, 0)>
module attributes {stable_mosaic.version = 14 : i64} {
  func.func @_pool_body(%arg0: i32, %arg1: i32, %arg2: memref<819200xi32, #tpu.memory_space<hbm>>, %arg3: memref<1015808x32xf32, #tpu.memory_space<hbm>>, %arg4: memref<4096x64xf32, #tpu.memory_space<hbm>>, %arg5: memref<25600xi32, #tpu.memory_space<vmem>>, %arg6: memref<200x32xf32, #tpu.memory_space<vmem>>, %arg7: memref<200x32xf32, #tpu.memory_space<vmem>>, %arg8: memref<128x64xf32, #tpu.memory_space<vmem>>, %arg9: memref<!tpu.dma_semaphore, #tpu.memory_space<semaphore_mem>>, %arg10: memref<!tpu.dma_semaphore, #tpu.memory_space<semaphore_mem>>) attributes {dimension_semantics = [#tpu.dimension_semantics<core_parallel>, #tpu.dimension_semantics<subcore_parallel>], iteration_bounds = array<i64: 2, 16>, scalar_prefetch = 0 : i64, scratch_operands = 6 : i64, tpu.core_type = #tpu.core_type<sc_vector_subcore>, window_params = [{transform_indices = #map}, {transform_indices = #map1}, {transform_indices = #map1}]} {
    %mul3A = arith.constant 2 : i32
    %mul3A_0 = arith.muli %arg1, %mul3A : i32
    %add3A = arith.addi %mul3A_0, %arg0 : i32
    %mul3A_1 = arith.constant 128 : i32
    %mul3A_2 = arith.muli %add3A, %mul3A_1 : i32
    %mul3A_3 = arith.constant 200 : i32
    %mul3A_4 = arith.muli %mul3A_2, %mul3A_3 : i32
    "tpu.region"() ({
      %run_scoped3A = tpu.sem_alloc : memref<!tpu.dma_semaphore, #tpu.memory_space<semaphore_mem>>
      %dma_start3A_30 = tpu.memref_slice %arg2[%mul3A_4] : memref<819200xi32, #tpu.memory_space<hbm>> -> memref<25600xi32, #tpu.memory_space<hbm>>
      %dma_start3A_31 = tpu.memref_slice %arg2[%mul3A_4] : memref<819200xi32, #tpu.memory_space<hbm>> -> memref<25600xi32, #tpu.memory_space<hbm>>
      tpu.enqueue_dma source(%dma_start3A_31 : memref<25600xi32, #tpu.memory_space<hbm>>) target(%arg5 : memref<25600xi32, #tpu.memory_space<vmem>>) target_semaphore(%run_scoped3A : memref<!tpu.dma_semaphore, #tpu.memory_space<semaphore_mem>>)
      %dma_wait3A = tpu.memref_slice %arg2[%mul3A_4] : memref<819200xi32, #tpu.memory_space<hbm>> -> memref<25600xi32, #tpu.memory_space<hbm>>
      %dma_wait3A_32 = tpu.memref_slice %arg2[%mul3A_4] : memref<819200xi32, #tpu.memory_space<hbm>> -> memref<25600xi32, #tpu.memory_space<hbm>>
      tpu.wait_dma2 semaphore(%run_scoped3A : memref<!tpu.dma_semaphore, #tpu.memory_space<semaphore_mem>>) src(%dma_wait3A_32 : memref<25600xi32, #tpu.memory_space<hbm>>) dst(%arg5 : memref<25600xi32, #tpu.memory_space<vmem>>)
      tpu.yield
    }) : () -> ()
    %scan3A = arith.constant 0 : i32
    %scan3A_5 = arith.constant 1600 : i32
    %scan3A_6 = arith.addi %scan3A, %scan3A_5 : i32
    %scan3A_7 = arith.constant 8 : i32
    scf.for %scan3A_30 = %scan3A to %scan3A_6 step %scan3A_7  : i32 {
      %mul3A_31 = arith.constant 1 : i32
      %mul3A_32 = arith.muli %scan3A_30, %mul3A_31 : i32
      %add3A_33 = arith.constant 0 : i32
      %add3A_34 = arith.addi %add3A_33, %mul3A_32 : i32
      %mul3A_35 = arith.constant 16 : i32
      %mul3A_36 = arith.muli %add3A_34, %mul3A_35 : i32
      %get3A = arith.index_cast %mul3A_36 : i32 to index
      %get3A_37 = tpu.vector_load %arg5[%get3A] {strides = array<i32>} : memref<25600xi32, #tpu.memory_space<vmem>>, vector<16xi32>,
      %ge3A = arith.constant 253952 : i32
      %ge3A_38 = vector.broadcast %ge3A : i32 to vector<16xi32>
      %ge3A_39 = arith.cmpi sge, %get3A_37, %ge3A_38 : vector<16xi32>
      %convert_element_type3A = arith.extui %ge3A_39 : vector<16xi1> to vector<16xi32>
      %ge3A_40 = arith.constant 507904 : i32
      %ge3A_41 = vector.broadcast %ge3A_40 : i32 to vector<16xi32>
      %ge3A_42 = arith.cmpi sge, %get3A_37, %ge3A_41 : vector<16xi32>
      %convert_element_type3A_43 = arith.extui %ge3A_42 : vector<16xi1> to vector<16xi32>
      %add3A_44 = arith.addi %convert_element_type3A, %convert_element_type3A_43 : vector<16xi32>
      %ge3A_45 = arith.constant 761856 : i32
      %ge3A_46 = vector.broadcast %ge3A_45 : i32 to vector<16xi32>
      %ge3A_47 = arith.cmpi sge, %get3A_37, %ge3A_46 : vector<16xi32>
      %convert_element_type3A_48 = arith.extui %ge3A_47 : vector<16xi1> to vector<16xi32>
      %add3A_49 = arith.addi %add3A_44, %convert_element_type3A_48 : vector<16xi32>
      %mul3A_50 = arith.constant 253952 : i32
      %mul3A_51 = vector.broadcast %mul3A_50 : i32 to vector<16xi32>
      %mul3A_52 = arith.muli %add3A_49, %mul3A_51 : vector<16xi32>
      %sub3A = arith.subi %get3A_37, %mul3A_52 : vector<16xi32>
      %shift_left3A = arith.constant 2 : i32
      %shift_left3A_53 = vector.broadcast %shift_left3A : i32 to vector<16xi32>
      %shift_left3A_54 = arith.shli %sub3A, %shift_left3A_53 : vector<16xi32>
      %add3A_55 = arith.addi %shift_left3A_54, %add3A_49 : vector<16xi32>
      %mul3A_56 = arith.constant 16 : i32
      %mul3A_57 = arith.muli %add3A_34, %mul3A_56 : i32
      %swap3A = arith.index_cast %mul3A_57 : i32 to index
      %swap3A_58 = tpu.vector_load %arg5[%swap3A] {strides = array<i32>} : memref<25600xi32, #tpu.memory_space<vmem>>, vector<16xi32>,
      tpu.vector_store %arg5[%swap3A], %add3A_55 {strides = array<i32>} : memref<25600xi32, #tpu.memory_space<vmem>>, vector<16xi32>,
      %scan3A_59 = arith.constant 1 : i32
      %scan3A_60 = arith.addi %scan3A_30, %scan3A_59 : i32
      %mul3A_61 = arith.constant 1 : i32
      %mul3A_62 = arith.muli %scan3A_60, %mul3A_61 : i32
      %add3A_63 = arith.constant 0 : i32
      %add3A_64 = arith.addi %add3A_63, %mul3A_62 : i32
      %mul3A_65 = arith.constant 16 : i32
      %mul3A_66 = arith.muli %add3A_64, %mul3A_65 : i32
      %get3A_67 = arith.index_cast %mul3A_66 : i32 to index
      %get3A_68 = tpu.vector_load %arg5[%get3A_67] {strides = array<i32>} : memref<25600xi32, #tpu.memory_space<vmem>>, vector<16xi32>,
      %ge3A_69 = arith.constant 253952 : i32
      %ge3A_70 = vector.broadcast %ge3A_69 : i32 to vector<16xi32>
      %ge3A_71 = arith.cmpi sge, %get3A_68, %ge3A_70 : vector<16xi32>
      %convert_element_type3A_72 = arith.extui %ge3A_71 : vector<16xi1> to vector<16xi32>
      %ge3A_73 = arith.constant 507904 : i32
      %ge3A_74 = vector.broadcast %ge3A_73 : i32 to vector<16xi32>
      %ge3A_75 = arith.cmpi sge, %get3A_68, %ge3A_74 : vector<16xi32>
      %convert_element_type3A_76 = arith.extui %ge3A_75 : vector<16xi1> to vector<16xi32>
      %add3A_77 = arith.addi %convert_element_type3A_72, %convert_element_type3A_76 : vector<16xi32>
      %ge3A_78 = arith.constant 761856 : i32
      %ge3A_79 = vector.broadcast %ge3A_78 : i32 to vector<16xi32>
      %ge3A_80 = arith.cmpi sge, %get3A_68, %ge3A_79 : vector<16xi32>
      %convert_element_type3A_81 = arith.extui %ge3A_80 : vector<16xi1> to vector<16xi32>
      %add3A_82 = arith.addi %add3A_77, %convert_element_type3A_81 : vector<16xi32>
      %mul3A_83 = arith.constant 253952 : i32
      %mul3A_84 = vector.broadcast %mul3A_83 : i32 to vector<16xi32>
      %mul3A_85 = arith.muli %add3A_82, %mul3A_84 : vector<16xi32>
      %sub3A_86 = arith.subi %get3A_68, %mul3A_85 : vector<16xi32>
      %shift_left3A_87 = arith.constant 2 : i32
      %shift_left3A_88 = vector.broadcast %shift_left3A_87 : i32 to vector<16xi32>
      %shift_left3A_89 = arith.shli %sub3A_86, %shift_left3A_88 : vector<16xi32>
      %add3A_90 = arith.addi %shift_left3A_89, %add3A_82 : vector<16xi32>
      %mul3A_91 = arith.constant 16 : i32
      %mul3A_92 = arith.muli %add3A_64, %mul3A_91 : i32
      %swap3A_93 = arith.index_cast %mul3A_92 : i32 to index
      %swap3A_94 = tpu.vector_load %arg5[%swap3A_93] {strides = array<i32>} : memref<25600xi32, #tpu.memory_space<vmem>>, vector<16xi32>,
      tpu.vector_store %arg5[%swap3A_93], %add3A_90 {strides = array<i32>} : memref<25600xi32, #tpu.memory_space<vmem>>, vector<16xi32>,
      %scan3A_95 = arith.constant 2 : i32
      %scan3A_96 = arith.addi %scan3A_30, %scan3A_95 : i32
      %mul3A_97 = arith.constant 1 : i32
      %mul3A_98 = arith.muli %scan3A_96, %mul3A_97 : i32
      %add3A_99 = arith.constant 0 : i32
      %add3A_100 = arith.addi %add3A_99, %mul3A_98 : i32
      %mul3A_101 = arith.constant 16 : i32
      %mul3A_102 = arith.muli %add3A_100, %mul3A_101 : i32
      %get3A_103 = arith.index_cast %mul3A_102 : i32 to index
      %get3A_104 = tpu.vector_load %arg5[%get3A_103] {strides = array<i32>} : memref<25600xi32, #tpu.memory_space<vmem>>, vector<16xi32>,
      %ge3A_105 = arith.constant 253952 : i32
      %ge3A_106 = vector.broadcast %ge3A_105 : i32 to vector<16xi32>
      %ge3A_107 = arith.cmpi sge, %get3A_104, %ge3A_106 : vector<16xi32>
      %convert_element_type3A_108 = arith.extui %ge3A_107 : vector<16xi1> to vector<16xi32>
      %ge3A_109 = arith.constant 507904 : i32
      %ge3A_110 = vector.broadcast %ge3A_109 : i32 to vector<16xi32>
      %ge3A_111 = arith.cmpi sge, %get3A_104, %ge3A_110 : vector<16xi32>
      %convert_element_type3A_112 = arith.extui %ge3A_111 : vector<16xi1> to vector<16xi32>
      %add3A_113 = arith.addi %convert_element_type3A_108, %convert_element_type3A_112 : vector<16xi32>
      %ge3A_114 = arith.constant 761856 : i32
      %ge3A_115 = vector.broadcast %ge3A_114 : i32 to vector<16xi32>
      %ge3A_116 = arith.cmpi sge, %get3A_104, %ge3A_115 : vector<16xi32>
      %convert_element_type3A_117 = arith.extui %ge3A_116 : vector<16xi1> to vector<16xi32>
      %add3A_118 = arith.addi %add3A_113, %convert_element_type3A_117 : vector<16xi32>
      %mul3A_119 = arith.constant 253952 : i32
      %mul3A_120 = vector.broadcast %mul3A_119 : i32 to vector<16xi32>
      %mul3A_121 = arith.muli %add3A_118, %mul3A_120 : vector<16xi32>
      %sub3A_122 = arith.subi %get3A_104, %mul3A_121 : vector<16xi32>
      %shift_left3A_123 = arith.constant 2 : i32
      %shift_left3A_124 = vector.broadcast %shift_left3A_123 : i32 to vector<16xi32>
      %shift_left3A_125 = arith.shli %sub3A_122, %shift_left3A_124 : vector<16xi32>
      %add3A_126 = arith.addi %shift_left3A_125, %add3A_118 : vector<16xi32>
      %mul3A_127 = arith.constant 16 : i32
      %mul3A_128 = arith.muli %add3A_100, %mul3A_127 : i32
      %swap3A_129 = arith.index_cast %mul3A_128 : i32 to index
      %swap3A_130 = tpu.vector_load %arg5[%swap3A_129] {strides = array<i32>} : memref<25600xi32, #tpu.memory_space<vmem>>, vector<16xi32>,
      tpu.vector_store %arg5[%swap3A_129], %add3A_126 {strides = array<i32>} : memref<25600xi32, #tpu.memory_space<vmem>>, vector<16xi32>,
      %scan3A_131 = arith.constant 3 : i32
      %scan3A_132 = arith.addi %scan3A_30, %scan3A_131 : i32
      %mul3A_133 = arith.constant 1 : i32
      %mul3A_134 = arith.muli %scan3A_132, %mul3A_133 : i32
      %add3A_135 = arith.constant 0 : i32
      %add3A_136 = arith.addi %add3A_135, %mul3A_134 : i32
      %mul3A_137 = arith.constant 16 : i32
      %mul3A_138 = arith.muli %add3A_136, %mul3A_137 : i32
      %get3A_139 = arith.index_cast %mul3A_138 : i32 to index
      %get3A_140 = tpu.vector_load %arg5[%get3A_139] {strides = array<i32>} : memref<25600xi32, #tpu.memory_space<vmem>>, vector<16xi32>,
      %ge3A_141 = arith.constant 253952 : i32
      %ge3A_142 = vector.broadcast %ge3A_141 : i32 to vector<16xi32>
      %ge3A_143 = arith.cmpi sge, %get3A_140, %ge3A_142 : vector<16xi32>
      %convert_element_type3A_144 = arith.extui %ge3A_143 : vector<16xi1> to vector<16xi32>
      %ge3A_145 = arith.constant 507904 : i32
      %ge3A_146 = vector.broadcast %ge3A_145 : i32 to vector<16xi32>
      %ge3A_147 = arith.cmpi sge, %get3A_140, %ge3A_146 : vector<16xi32>
      %convert_element_type3A_148 = arith.extui %ge3A_147 : vector<16xi1> to vector<16xi32>
      %add3A_149 = arith.addi %convert_element_type3A_144, %convert_element_type3A_148 : vector<16xi32>
      %ge3A_150 = arith.constant 761856 : i32
      %ge3A_151 = vector.broadcast %ge3A_150 : i32 to vector<16xi32>
      %ge3A_152 = arith.cmpi sge, %get3A_140, %ge3A_151 : vector<16xi32>
      %convert_element_type3A_153 = arith.extui %ge3A_152 : vector<16xi1> to vector<16xi32>
      %add3A_154 = arith.addi %add3A_149, %convert_element_type3A_153 : vector<16xi32>
      %mul3A_155 = arith.constant 253952 : i32
      %mul3A_156 = vector.broadcast %mul3A_155 : i32 to vector<16xi32>
      %mul3A_157 = arith.muli %add3A_154, %mul3A_156 : vector<16xi32>
      %sub3A_158 = arith.subi %get3A_140, %mul3A_157 : vector<16xi32>
      %shift_left3A_159 = arith.constant 2 : i32
      %shift_left3A_160 = vector.broadcast %shift_left3A_159 : i32 to vector<16xi32>
      %shift_left3A_161 = arith.shli %sub3A_158, %shift_left3A_160 : vector<16xi32>
      %add3A_162 = arith.addi %shift_left3A_161, %add3A_154 : vector<16xi32>
      %mul3A_163 = arith.constant 16 : i32
      %mul3A_164 = arith.muli %add3A_136, %mul3A_163 : i32
      %swap3A_165 = arith.index_cast %mul3A_164 : i32 to index
      %swap3A_166 = tpu.vector_load %arg5[%swap3A_165] {strides = array<i32>} : memref<25600xi32, #tpu.memory_space<vmem>>, vector<16xi32>,
      tpu.vector_store %arg5[%swap3A_165], %add3A_162 {strides = array<i32>} : memref<25600xi32, #tpu.memory_space<vmem>>, vector<16xi32>,
      %scan3A_167 = arith.constant 4 : i32
      %scan3A_168 = arith.addi %scan3A_30, %scan3A_167 : i32
      %mul3A_169 = arith.constant 1 : i32
      %mul3A_170 = arith.muli %scan3A_168, %mul3A_169 : i32
      %add3A_171 = arith.constant 0 : i32
      %add3A_172 = arith.addi %add3A_171, %mul3A_170 : i32
      %mul3A_173 = arith.constant 16 : i32
      %mul3A_174 = arith.muli %add3A_172, %mul3A_173 : i32
      %get3A_175 = arith.index_cast %mul3A_174 : i32 to index
      %get3A_176 = tpu.vector_load %arg5[%get3A_175] {strides = array<i32>} : memref<25600xi32, #tpu.memory_space<vmem>>, vector<16xi32>,
      %ge3A_177 = arith.constant 253952 : i32
      %ge3A_178 = vector.broadcast %ge3A_177 : i32 to vector<16xi32>
      %ge3A_179 = arith.cmpi sge, %get3A_176, %ge3A_178 : vector<16xi32>
      %convert_element_type3A_180 = arith.extui %ge3A_179 : vector<16xi1> to vector<16xi32>
      %ge3A_181 = arith.constant 507904 : i32
      %ge3A_182 = vector.broadcast %ge3A_181 : i32 to vector<16xi32>
      %ge3A_183 = arith.cmpi sge, %get3A_176, %ge3A_182 : vector<16xi32>
      %convert_element_type3A_184 = arith.extui %ge3A_183 : vector<16xi1> to vector<16xi32>
      %add3A_185 = arith.addi %convert_element_type3A_180, %convert_element_type3A_184 : vector<16xi32>
      %ge3A_186 = arith.constant 761856 : i32
      %ge3A_187 = vector.broadcast %ge3A_186 : i32 to vector<16xi32>
      %ge3A_188 = arith.cmpi sge, %get3A_176, %ge3A_187 : vector<16xi32>
      %convert_element_type3A_189 = arith.extui %ge3A_188 : vector<16xi1> to vector<16xi32>
      %add3A_190 = arith.addi %add3A_185, %convert_element_type3A_189 : vector<16xi32>
      %mul3A_191 = arith.constant 253952 : i32
      %mul3A_192 = vector.broadcast %mul3A_191 : i32 to vector<16xi32>
      %mul3A_193 = arith.muli %add3A_190, %mul3A_192 : vector<16xi32>
      %sub3A_194 = arith.subi %get3A_176, %mul3A_193 : vector<16xi32>
      %shift_left3A_195 = arith.constant 2 : i32
      %shift_left3A_196 = vector.broadcast %shift_left3A_195 : i32 to vector<16xi32>
      %shift_left3A_197 = arith.shli %sub3A_194, %shift_left3A_196 : vector<16xi32>
      %add3A_198 = arith.addi %shift_left3A_197, %add3A_190 : vector<16xi32>
      %mul3A_199 = arith.constant 16 : i32
      %mul3A_200 = arith.muli %add3A_172, %mul3A_199 : i32
      %swap3A_201 = arith.index_cast %mul3A_200 : i32 to index
      %swap3A_202 = tpu.vector_load %arg5[%swap3A_201] {strides = array<i32>} : memref<25600xi32, #tpu.memory_space<vmem>>, vector<16xi32>,
      tpu.vector_store %arg5[%swap3A_201], %add3A_198 {strides = array<i32>} : memref<25600xi32, #tpu.memory_space<vmem>>, vector<16xi32>,
      %scan3A_203 = arith.constant 5 : i32
      %scan3A_204 = arith.addi %scan3A_30, %scan3A_203 : i32
      %mul3A_205 = arith.constant 1 : i32
      %mul3A_206 = arith.muli %scan3A_204, %mul3A_205 : i32
      %add3A_207 = arith.constant 0 : i32
      %add3A_208 = arith.addi %add3A_207, %mul3A_206 : i32
      %mul3A_209 = arith.constant 16 : i32
      %mul3A_210 = arith.muli %add3A_208, %mul3A_209 : i32
      %get3A_211 = arith.index_cast %mul3A_210 : i32 to index
      %get3A_212 = tpu.vector_load %arg5[%get3A_211] {strides = array<i32>} : memref<25600xi32, #tpu.memory_space<vmem>>, vector<16xi32>,
      %ge3A_213 = arith.constant 253952 : i32
      %ge3A_214 = vector.broadcast %ge3A_213 : i32 to vector<16xi32>
      %ge3A_215 = arith.cmpi sge, %get3A_212, %ge3A_214 : vector<16xi32>
      %convert_element_type3A_216 = arith.extui %ge3A_215 : vector<16xi1> to vector<16xi32>
      %ge3A_217 = arith.constant 507904 : i32
      %ge3A_218 = vector.broadcast %ge3A_217 : i32 to vector<16xi32>
      %ge3A_219 = arith.cmpi sge, %get3A_212, %ge3A_218 : vector<16xi32>
      %convert_element_type3A_220 = arith.extui %ge3A_219 : vector<16xi1> to vector<16xi32>
      %add3A_221 = arith.addi %convert_element_type3A_216, %convert_element_type3A_220 : vector<16xi32>
      %ge3A_222 = arith.constant 761856 : i32
      %ge3A_223 = vector.broadcast %ge3A_222 : i32 to vector<16xi32>
      %ge3A_224 = arith.cmpi sge, %get3A_212, %ge3A_223 : vector<16xi32>
      %convert_element_type3A_225 = arith.extui %ge3A_224 : vector<16xi1> to vector<16xi32>
      %add3A_226 = arith.addi %add3A_221, %convert_element_type3A_225 : vector<16xi32>
      %mul3A_227 = arith.constant 253952 : i32
      %mul3A_228 = vector.broadcast %mul3A_227 : i32 to vector<16xi32>
      %mul3A_229 = arith.muli %add3A_226, %mul3A_228 : vector<16xi32>
      %sub3A_230 = arith.subi %get3A_212, %mul3A_229 : vector<16xi32>
      %shift_left3A_231 = arith.constant 2 : i32
      %shift_left3A_232 = vector.broadcast %shift_left3A_231 : i32 to vector<16xi32>
      %shift_left3A_233 = arith.shli %sub3A_230, %shift_left3A_232 : vector<16xi32>
      %add3A_234 = arith.addi %shift_left3A_233, %add3A_226 : vector<16xi32>
      %mul3A_235 = arith.constant 16 : i32
      %mul3A_236 = arith.muli %add3A_208, %mul3A_235 : i32
      %swap3A_237 = arith.index_cast %mul3A_236 : i32 to index
      %swap3A_238 = tpu.vector_load %arg5[%swap3A_237] {strides = array<i32>} : memref<25600xi32, #tpu.memory_space<vmem>>, vector<16xi32>,
      tpu.vector_store %arg5[%swap3A_237], %add3A_234 {strides = array<i32>} : memref<25600xi32, #tpu.memory_space<vmem>>, vector<16xi32>,
      %scan3A_239 = arith.constant 6 : i32
      %scan3A_240 = arith.addi %scan3A_30, %scan3A_239 : i32
      %mul3A_241 = arith.constant 1 : i32
      %mul3A_242 = arith.muli %scan3A_240, %mul3A_241 : i32
      %add3A_243 = arith.constant 0 : i32
      %add3A_244 = arith.addi %add3A_243, %mul3A_242 : i32
      %mul3A_245 = arith.constant 16 : i32
      %mul3A_246 = arith.muli %add3A_244, %mul3A_245 : i32
      %get3A_247 = arith.index_cast %mul3A_246 : i32 to index
      %get3A_248 = tpu.vector_load %arg5[%get3A_247] {strides = array<i32>} : memref<25600xi32, #tpu.memory_space<vmem>>, vector<16xi32>,
      %ge3A_249 = arith.constant 253952 : i32
      %ge3A_250 = vector.broadcast %ge3A_249 : i32 to vector<16xi32>
      %ge3A_251 = arith.cmpi sge, %get3A_248, %ge3A_250 : vector<16xi32>
      %convert_element_type3A_252 = arith.extui %ge3A_251 : vector<16xi1> to vector<16xi32>
      %ge3A_253 = arith.constant 507904 : i32
      %ge3A_254 = vector.broadcast %ge3A_253 : i32 to vector<16xi32>
      %ge3A_255 = arith.cmpi sge, %get3A_248, %ge3A_254 : vector<16xi32>
      %convert_element_type3A_256 = arith.extui %ge3A_255 : vector<16xi1> to vector<16xi32>
      %add3A_257 = arith.addi %convert_element_type3A_252, %convert_element_type3A_256 : vector<16xi32>
      %ge3A_258 = arith.constant 761856 : i32
      %ge3A_259 = vector.broadcast %ge3A_258 : i32 to vector<16xi32>
      %ge3A_260 = arith.cmpi sge, %get3A_248, %ge3A_259 : vector<16xi32>
      %convert_element_type3A_261 = arith.extui %ge3A_260 : vector<16xi1> to vector<16xi32>
      %add3A_262 = arith.addi %add3A_257, %convert_element_type3A_261 : vector<16xi32>
      %mul3A_263 = arith.constant 253952 : i32
      %mul3A_264 = vector.broadcast %mul3A_263 : i32 to vector<16xi32>
      %mul3A_265 = arith.muli %add3A_262, %mul3A_264 : vector<16xi32>
      %sub3A_266 = arith.subi %get3A_248, %mul3A_265 : vector<16xi32>
      %shift_left3A_267 = arith.constant 2 : i32
      %shift_left3A_268 = vector.broadcast %shift_left3A_267 : i32 to vector<16xi32>
      %shift_left3A_269 = arith.shli %sub3A_266, %shift_left3A_268 : vector<16xi32>
      %add3A_270 = arith.addi %shift_left3A_269, %add3A_262 : vector<16xi32>
      %mul3A_271 = arith.constant 16 : i32
      %mul3A_272 = arith.muli %add3A_244, %mul3A_271 : i32
      %swap3A_273 = arith.index_cast %mul3A_272 : i32 to index
      %swap3A_274 = tpu.vector_load %arg5[%swap3A_273] {strides = array<i32>} : memref<25600xi32, #tpu.memory_space<vmem>>, vector<16xi32>,
      tpu.vector_store %arg5[%swap3A_273], %add3A_270 {strides = array<i32>} : memref<25600xi32, #tpu.memory_space<vmem>>, vector<16xi32>,
      %scan3A_275 = arith.constant 7 : i32
      %scan3A_276 = arith.addi %scan3A_30, %scan3A_275 : i32
      %mul3A_277 = arith.constant 1 : i32
      %mul3A_278 = arith.muli %scan3A_276, %mul3A_277 : i32
      %add3A_279 = arith.constant 0 : i32
      %add3A_280 = arith.addi %add3A_279, %mul3A_278 : i32
      %mul3A_281 = arith.constant 16 : i32
      %mul3A_282 = arith.muli %add3A_280, %mul3A_281 : i32
      %get3A_283 = arith.index_cast %mul3A_282 : i32 to index
      %get3A_284 = tpu.vector_load %arg5[%get3A_283] {strides = array<i32>} : memref<25600xi32, #tpu.memory_space<vmem>>, vector<16xi32>,
      %ge3A_285 = arith.constant 253952 : i32
      %ge3A_286 = vector.broadcast %ge3A_285 : i32 to vector<16xi32>
      %ge3A_287 = arith.cmpi sge, %get3A_284, %ge3A_286 : vector<16xi32>
      %convert_element_type3A_288 = arith.extui %ge3A_287 : vector<16xi1> to vector<16xi32>
      %ge3A_289 = arith.constant 507904 : i32
      %ge3A_290 = vector.broadcast %ge3A_289 : i32 to vector<16xi32>
      %ge3A_291 = arith.cmpi sge, %get3A_284, %ge3A_290 : vector<16xi32>
      %convert_element_type3A_292 = arith.extui %ge3A_291 : vector<16xi1> to vector<16xi32>
      %add3A_293 = arith.addi %convert_element_type3A_288, %convert_element_type3A_292 : vector<16xi32>
      %ge3A_294 = arith.constant 761856 : i32
      %ge3A_295 = vector.broadcast %ge3A_294 : i32 to vector<16xi32>
      %ge3A_296 = arith.cmpi sge, %get3A_284, %ge3A_295 : vector<16xi32>
      %convert_element_type3A_297 = arith.extui %ge3A_296 : vector<16xi1> to vector<16xi32>
      %add3A_298 = arith.addi %add3A_293, %convert_element_type3A_297 : vector<16xi32>
      %mul3A_299 = arith.constant 253952 : i32
      %mul3A_300 = vector.broadcast %mul3A_299 : i32 to vector<16xi32>
      %mul3A_301 = arith.muli %add3A_298, %mul3A_300 : vector<16xi32>
      %sub3A_302 = arith.subi %get3A_284, %mul3A_301 : vector<16xi32>
      %shift_left3A_303 = arith.constant 2 : i32
      %shift_left3A_304 = vector.broadcast %shift_left3A_303 : i32 to vector<16xi32>
      %shift_left3A_305 = arith.shli %sub3A_302, %shift_left3A_304 : vector<16xi32>
      %add3A_306 = arith.addi %shift_left3A_305, %add3A_298 : vector<16xi32>
      %mul3A_307 = arith.constant 16 : i32
      %mul3A_308 = arith.muli %add3A_280, %mul3A_307 : i32
      %swap3A_309 = arith.index_cast %mul3A_308 : i32 to index
      %swap3A_310 = tpu.vector_load %arg5[%swap3A_309] {strides = array<i32>} : memref<25600xi32, #tpu.memory_space<vmem>>, vector<16xi32>,
      tpu.vector_store %arg5[%swap3A_309], %add3A_306 {strides = array<i32>} : memref<25600xi32, #tpu.memory_space<vmem>>, vector<16xi32>,
    }
    %scan3A_8 = arith.constant 1600 : i32
    %dma_start3A = arith.constant 0 : i32
    %dma_start3A_9 = arith.constant 0 : i32
    %dma_start3A_10 = tpu.memref_slice %arg6[%dma_start3A, %dma_start3A_9] : memref<200x32xf32, #tpu.memory_space<vmem>> -> memref<128x32xf32, #tpu.memory_space<vmem>>
    %dma_start3A_11 = arith.constant 0 : i32
    %dma_start3A_12 = tpu.memref_slice %arg5[%dma_start3A_11] : memref<25600xi32, #tpu.memory_space<vmem>> -> memref<128xi32, #tpu.memory_space<vmem>>
    %dma_start3A_13 = arith.constant 0 : i32
    %dma_start3A_14 = arith.constant 0 : i32
    %dma_start3A_15 = tpu.memref_slice %arg3[%dma_start3A_13, %dma_start3A_14] : memref<1015808x32xf32, #tpu.memory_space<hbm>> -> memref<1015808x32xf32, #tpu.memory_space<hbm>>
    tpu.enqueue_indirect_dma source(%dma_start3A_15 : memref<1015808x32xf32, #tpu.memory_space<hbm>>) target(%dma_start3A_10 : memref<128x32xf32, #tpu.memory_space<vmem>>) offsets(%dma_start3A_12 : memref<128xi32, #tpu.memory_space<vmem>>) semaphore(%arg9 : memref<!tpu.dma_semaphore, #tpu.memory_space<semaphore_mem>>)
    %dma_start3A_16 = arith.constant 128 : i32
    %dma_start3A_17 = arith.constant 0 : i32
    %dma_start3A_18 = tpu.memref_slice %arg6[%dma_start3A_16, %dma_start3A_17] : memref<200x32xf32, #tpu.memory_space<vmem>> -> memref<72x32xf32, #tpu.memory_space<vmem>>
    %dma_start3A_19 = arith.constant 128 : i32
    %dma_start3A_20 = tpu.memref_slice %arg5[%dma_start3A_19] : memref<25600xi32, #tpu.memory_space<vmem>> -> memref<72xi32, #tpu.memory_space<vmem>>
    %dma_start3A_21 = arith.constant 0 : i32
    %dma_start3A_22 = arith.constant 0 : i32
    %dma_start3A_23 = tpu.memref_slice %arg3[%dma_start3A_21, %dma_start3A_22] : memref<1015808x32xf32, #tpu.memory_space<hbm>> -> memref<1015808x32xf32, #tpu.memory_space<hbm>>
    tpu.enqueue_indirect_dma source(%dma_start3A_23 : memref<1015808x32xf32, #tpu.memory_space<hbm>>) target(%dma_start3A_18 : memref<72x32xf32, #tpu.memory_space<vmem>>) offsets(%dma_start3A_20 : memref<72xi32, #tpu.memory_space<vmem>>) semaphore(%arg9 : memref<!tpu.dma_semaphore, #tpu.memory_space<semaphore_mem>>)
    %scan3A_24 = arith.constant 5.000000e-03 : f32
    %scan3A_25 = arith.constant 0 : i32
    %scan3A_26 = arith.constant 64 : i32
    %scan3A_27 = arith.addi %scan3A_25, %scan3A_26 : i32
    %scan3A_28 = arith.constant 1 : i32
    scf.for %scan3A_30 = %scan3A_25 to %scan3A_27 step %scan3A_28  : i32 {
      %mul3A_31 = arith.constant 2 : i32
      %mul3A_32 = arith.muli %scan3A_30, %mul3A_31 : i32
      %add3A_33 = arith.constant 0 : i32
      %add3A_34 = arith.addi %add3A_33, %mul3A_32 : i32
      %add3A_35 = arith.constant 0 : i32
      %add3A_36 = arith.addi %add3A_34, %add3A_35 : i32
      %add3A_37 = arith.constant 1 : i32
      %add3A_38 = arith.addi %add3A_36, %add3A_37 : i32
      %lt3A = arith.constant 128 : i32
      %lt3A_39 = arith.cmpi slt, %add3A_38, %lt3A : i32
      %convert_element_type3A = arith.extui %lt3A_39 : i1 to i32
      %cond3A = arith.constant 0 : i32
      %cond3A_40 = arith.cmpi ne, %convert_element_type3A, %cond3A : i32
      scf.if %cond3A_40 {
        %mul3A_151 = arith.constant 200 : i32
        %mul3A_152 = arith.muli %add3A_38, %mul3A_151 : i32
        %add3A_153 = arith.constant 128 : i32
        %add3A_154 = arith.addi %mul3A_152, %add3A_153 : i32
        %dma_start3A_155 = arith.constant 0 : i32
        %dma_start3A_156 = arith.constant 0 : i32
        %dma_start3A_157 = tpu.memref_slice %arg7[%dma_start3A_155, %dma_start3A_156] : memref<200x32xf32, #tpu.memory_space<vmem>> -> memref<128x32xf32, #tpu.memory_space<vmem>>
        %dma_start3A_158 = tpu.memref_slice %arg5[%mul3A_152] : memref<25600xi32, #tpu.memory_space<vmem>> -> memref<128xi32, #tpu.memory_space<vmem>>
        %dma_start3A_159 = arith.constant 0 : i32
        %dma_start3A_160 = arith.constant 0 : i32
        %dma_start3A_161 = tpu.memref_slice %arg3[%dma_start3A_159, %dma_start3A_160] : memref<1015808x32xf32, #tpu.memory_space<hbm>> -> memref<1015808x32xf32, #tpu.memory_space<hbm>>
        tpu.enqueue_indirect_dma source(%dma_start3A_161 : memref<1015808x32xf32, #tpu.memory_space<hbm>>) target(%dma_start3A_157 : memref<128x32xf32, #tpu.memory_space<vmem>>) offsets(%dma_start3A_158 : memref<128xi32, #tpu.memory_space<vmem>>) semaphore(%arg10 : memref<!tpu.dma_semaphore, #tpu.memory_space<semaphore_mem>>)
        %dma_start3A_162 = arith.constant 128 : i32
        %dma_start3A_163 = arith.constant 0 : i32
        %dma_start3A_164 = tpu.memref_slice %arg7[%dma_start3A_162, %dma_start3A_163] : memref<200x32xf32, #tpu.memory_space<vmem>> -> memref<72x32xf32, #tpu.memory_space<vmem>>
        %dma_start3A_165 = tpu.memref_slice %arg5[%add3A_154] : memref<25600xi32, #tpu.memory_space<vmem>> -> memref<72xi32, #tpu.memory_space<vmem>>
        %dma_start3A_166 = arith.constant 0 : i32
        %dma_start3A_167 = arith.constant 0 : i32
        %dma_start3A_168 = tpu.memref_slice %arg3[%dma_start3A_166, %dma_start3A_167] : memref<1015808x32xf32, #tpu.memory_space<hbm>> -> memref<1015808x32xf32, #tpu.memory_space<hbm>>
        tpu.enqueue_indirect_dma source(%dma_start3A_168 : memref<1015808x32xf32, #tpu.memory_space<hbm>>) target(%dma_start3A_164 : memref<72x32xf32, #tpu.memory_space<vmem>>) offsets(%dma_start3A_165 : memref<72xi32, #tpu.memory_space<vmem>>) semaphore(%arg10 : memref<!tpu.dma_semaphore, #tpu.memory_space<semaphore_mem>>)
      } else {
      }
      %mul3A_41 = arith.constant 200 : i32
      %mul3A_42 = arith.muli %add3A_36, %mul3A_41 : i32
      %add3A_43 = arith.constant 128 : i32
      %add3A_44 = arith.addi %mul3A_42, %add3A_43 : i32
      %dma_wait3A = arith.constant 0 : i32
      %dma_wait3A_45 = arith.constant 0 : i32
      %dma_wait3A_46 = tpu.memref_slice %arg6[%dma_wait3A, %dma_wait3A_45] : memref<200x32xf32, #tpu.memory_space<vmem>> -> memref<128x32xf32, #tpu.memory_space<vmem>>
      %dma_wait3A_47 = tpu.memref_slice %arg5[%mul3A_42] : memref<25600xi32, #tpu.memory_space<vmem>> -> memref<128xi32, #tpu.memory_space<vmem>>
      %dma_wait3A_48 = arith.constant 0 : i32
      %dma_wait3A_49 = arith.constant 0 : i32
      %dma_wait3A_50 = tpu.memref_slice %arg3[%dma_wait3A_48, %dma_wait3A_49] : memref<1015808x32xf32, #tpu.memory_space<hbm>> -> memref<1015808x32xf32, #tpu.memory_space<hbm>>
      tpu.wait_indirect_dma semaphore(%arg9 : memref<!tpu.dma_semaphore, #tpu.memory_space<semaphore_mem>>) src(%dma_wait3A_50 : memref<1015808x32xf32, #tpu.memory_space<hbm>>) dst(%dma_wait3A_46 : memref<128x32xf32, #tpu.memory_space<vmem>>)
      %dma_wait3A_51 = arith.constant 128 : i32
      %dma_wait3A_52 = arith.constant 0 : i32
      %dma_wait3A_53 = tpu.memref_slice %arg6[%dma_wait3A_51, %dma_wait3A_52] : memref<200x32xf32, #tpu.memory_space<vmem>> -> memref<72x32xf32, #tpu.memory_space<vmem>>
      %dma_wait3A_54 = tpu.memref_slice %arg5[%add3A_44] : memref<25600xi32, #tpu.memory_space<vmem>> -> memref<72xi32, #tpu.memory_space<vmem>>
      %dma_wait3A_55 = arith.constant 0 : i32
      %dma_wait3A_56 = arith.constant 0 : i32
      %dma_wait3A_57 = tpu.memref_slice %arg3[%dma_wait3A_55, %dma_wait3A_56] : memref<1015808x32xf32, #tpu.memory_space<hbm>> -> memref<1015808x32xf32, #tpu.memory_space<hbm>>
      tpu.wait_indirect_dma semaphore(%arg9 : memref<!tpu.dma_semaphore, #tpu.memory_space<semaphore_mem>>) src(%dma_wait3A_57 : memref<1015808x32xf32, #tpu.memory_space<hbm>>) dst(%dma_wait3A_53 : memref<72x32xf32, #tpu.memory_space<vmem>>)
      %broadcast_in_dim3A = arith.constant 0.000000e+00 : f32
      %broadcast_in_dim3A_58 = vector.broadcast %broadcast_in_dim3A : f32 to vector<16xf32>
      %broadcast_in_dim3A_59 = arith.constant 0.000000e+00 : f32
      %broadcast_in_dim3A_60 = vector.broadcast %broadcast_in_dim3A_59 : f32 to vector<16xf32>
      %broadcast_in_dim3A_61 = arith.constant 0.000000e+00 : f32
      %broadcast_in_dim3A_62 = vector.broadcast %broadcast_in_dim3A_61 : f32 to vector<16xf32>
      %broadcast_in_dim3A_63 = arith.constant 0.000000e+00 : f32
      %broadcast_in_dim3A_64 = vector.broadcast %broadcast_in_dim3A_63 : f32 to vector<16xf32>
      %scan3A_65 = arith.constant 0 : i32
      %scan3A_66 = arith.constant 25 : i32
      %scan3A_67 = arith.addi %scan3A_65, %scan3A_66 : i32
      %scan3A_68 = arith.constant 1 : i32
      %scan3A_69:4 = scf.for %scan3A_151 = %scan3A_65 to %scan3A_67 step %scan3A_68 iter_args(%scan3A_152 = %broadcast_in_dim3A_58, %scan3A_153 = %broadcast_in_dim3A_60, %scan3A_154 = %broadcast_in_dim3A_62, %scan3A_155 = %broadcast_in_dim3A_64) -> (vector<16xf32>, vector<16xf32>, vector<16xf32>, vector<16xf32>)  : i32 {
        %mul3A_156 = arith.constant 8 : i32
        %mul3A_157 = arith.muli %scan3A_151, %mul3A_156 : i32
        %add3A_158 = arith.constant 0 : i32
        %add3A_159 = arith.addi %mul3A_157, %add3A_158 : i32
        %get3A = arith.index_cast %add3A_159 : i32 to index
        %get3A_160 = arith.constant 0 : index
        %get3A_161 = tpu.vector_load %arg6[%get3A, %get3A_160] {strides = array<i32>} : memref<200x32xf32, #tpu.memory_space<vmem>>, vector<16xf32>,
        %bitcast3A = vector.bitcast %get3A_161 : vector<16xf32> to vector<32xbf16>
        %add3A_162 = arith.constant 1 : i32
        %add3A_163 = arith.addi %add3A_159, %add3A_162 : i32
        %get3A_164 = arith.index_cast %add3A_163 : i32 to index
        %get3A_165 = arith.constant 0 : index
        %get3A_166 = tpu.vector_load %arg6[%get3A_164, %get3A_165] {strides = array<i32>} : memref<200x32xf32, #tpu.memory_space<vmem>>, vector<16xf32>,
        %bitcast3A_167 = vector.bitcast %get3A_166 : vector<16xf32> to vector<32xbf16>
        %add3A_168 = arith.addf %bitcast3A, %bitcast3A_167 : vector<32xbf16>
        %add3A_169 = arith.constant 2 : i32
        %add3A_170 = arith.addi %add3A_159, %add3A_169 : i32
        %get3A_171 = arith.index_cast %add3A_170 : i32 to index
        %get3A_172 = arith.constant 0 : index
        %get3A_173 = tpu.vector_load %arg6[%get3A_171, %get3A_172] {strides = array<i32>} : memref<200x32xf32, #tpu.memory_space<vmem>>, vector<16xf32>,
        %bitcast3A_174 = vector.bitcast %get3A_173 : vector<16xf32> to vector<32xbf16>
        %add3A_175 = arith.addf %add3A_168, %bitcast3A_174 : vector<32xbf16>
        %add3A_176 = arith.constant 3 : i32
        %add3A_177 = arith.addi %add3A_159, %add3A_176 : i32
        %get3A_178 = arith.index_cast %add3A_177 : i32 to index
        %get3A_179 = arith.constant 0 : index
        %get3A_180 = tpu.vector_load %arg6[%get3A_178, %get3A_179] {strides = array<i32>} : memref<200x32xf32, #tpu.memory_space<vmem>>, vector<16xf32>,
        %bitcast3A_181 = vector.bitcast %get3A_180 : vector<16xf32> to vector<32xbf16>
        %add3A_182 = arith.addf %add3A_175, %bitcast3A_181 : vector<32xbf16>
        %unpack3A = tpu.unpack_subelements %add3A_182, 0 {pack_format = #tpu.pack_format<interleaved>} : vector<32xbf16> -> vector<16xf32>
        %unpack3A_183 = tpu.unpack_subelements %add3A_182, 1 {pack_format = #tpu.pack_format<interleaved>} : vector<32xbf16> -> vector<16xf32>
        %add3A_184 = arith.addf %scan3A_152, %unpack3A : vector<16xf32>
        %add3A_185 = arith.addf %scan3A_153, %unpack3A_183 : vector<16xf32>
        %get3A_186 = arith.index_cast %add3A_159 : i32 to index
        %get3A_187 = arith.constant 16 : index
        %get3A_188 = tpu.vector_load %arg6[%get3A_186, %get3A_187] {strides = array<i32>} : memref<200x32xf32, #tpu.memory_space<vmem>>, vector<16xf32>,
        %bitcast3A_189 = vector.bitcast %get3A_188 : vector<16xf32> to vector<32xbf16>
        %add3A_190 = arith.constant 1 : i32
        %add3A_191 = arith.addi %add3A_159, %add3A_190 : i32
        %get3A_192 = arith.index_cast %add3A_191 : i32 to index
        %get3A_193 = arith.constant 16 : index
        %get3A_194 = tpu.vector_load %arg6[%get3A_192, %get3A_193] {strides = array<i32>} : memref<200x32xf32, #tpu.memory_space<vmem>>, vector<16xf32>,
        %bitcast3A_195 = vector.bitcast %get3A_194 : vector<16xf32> to vector<32xbf16>
        %add3A_196 = arith.addf %bitcast3A_189, %bitcast3A_195 : vector<32xbf16>
        %add3A_197 = arith.constant 2 : i32
        %add3A_198 = arith.addi %add3A_159, %add3A_197 : i32
        %get3A_199 = arith.index_cast %add3A_198 : i32 to index
        %get3A_200 = arith.constant 16 : index
        %get3A_201 = tpu.vector_load %arg6[%get3A_199, %get3A_200] {strides = array<i32>} : memref<200x32xf32, #tpu.memory_space<vmem>>, vector<16xf32>,
        %bitcast3A_202 = vector.bitcast %get3A_201 : vector<16xf32> to vector<32xbf16>
        %add3A_203 = arith.addf %add3A_196, %bitcast3A_202 : vector<32xbf16>
        %add3A_204 = arith.constant 3 : i32
        %add3A_205 = arith.addi %add3A_159, %add3A_204 : i32
        %get3A_206 = arith.index_cast %add3A_205 : i32 to index
        %get3A_207 = arith.constant 16 : index
        %get3A_208 = tpu.vector_load %arg6[%get3A_206, %get3A_207] {strides = array<i32>} : memref<200x32xf32, #tpu.memory_space<vmem>>, vector<16xf32>,
        %bitcast3A_209 = vector.bitcast %get3A_208 : vector<16xf32> to vector<32xbf16>
        %add3A_210 = arith.addf %add3A_203, %bitcast3A_209 : vector<32xbf16>
        %unpack3A_211 = tpu.unpack_subelements %add3A_210, 0 {pack_format = #tpu.pack_format<interleaved>} : vector<32xbf16> -> vector<16xf32>
        %unpack3A_212 = tpu.unpack_subelements %add3A_210, 1 {pack_format = #tpu.pack_format<interleaved>} : vector<32xbf16> -> vector<16xf32>
        %add3A_213 = arith.addf %scan3A_154, %unpack3A_211 : vector<16xf32>
        %add3A_214 = arith.addf %scan3A_155, %unpack3A_212 : vector<16xf32>
        %mul3A_215 = arith.constant 8 : i32
        %mul3A_216 = arith.muli %scan3A_151, %mul3A_215 : i32
        %add3A_217 = arith.constant 4 : i32
        %add3A_218 = arith.addi %mul3A_216, %add3A_217 : i32
        %get3A_219 = arith.index_cast %add3A_218 : i32 to index
        %get3A_220 = arith.constant 0 : index
        %get3A_221 = tpu.vector_load %arg6[%get3A_219, %get3A_220] {strides = array<i32>} : memref<200x32xf32, #tpu.memory_space<vmem>>, vector<16xf32>,
        %bitcast3A_222 = vector.bitcast %get3A_221 : vector<16xf32> to vector<32xbf16>
        %add3A_223 = arith.constant 1 : i32
        %add3A_224 = arith.addi %add3A_218, %add3A_223 : i32
        %get3A_225 = arith.index_cast %add3A_224 : i32 to index
        %get3A_226 = arith.constant 0 : index
        %get3A_227 = tpu.vector_load %arg6[%get3A_225, %get3A_226] {strides = array<i32>} : memref<200x32xf32, #tpu.memory_space<vmem>>, vector<16xf32>,
        %bitcast3A_228 = vector.bitcast %get3A_227 : vector<16xf32> to vector<32xbf16>
        %add3A_229 = arith.addf %bitcast3A_222, %bitcast3A_228 : vector<32xbf16>
        %add3A_230 = arith.constant 2 : i32
        %add3A_231 = arith.addi %add3A_218, %add3A_230 : i32
        %get3A_232 = arith.index_cast %add3A_231 : i32 to index
        %get3A_233 = arith.constant 0 : index
        %get3A_234 = tpu.vector_load %arg6[%get3A_232, %get3A_233] {strides = array<i32>} : memref<200x32xf32, #tpu.memory_space<vmem>>, vector<16xf32>,
        %bitcast3A_235 = vector.bitcast %get3A_234 : vector<16xf32> to vector<32xbf16>
        %add3A_236 = arith.addf %add3A_229, %bitcast3A_235 : vector<32xbf16>
        %add3A_237 = arith.constant 3 : i32
        %add3A_238 = arith.addi %add3A_218, %add3A_237 : i32
        %get3A_239 = arith.index_cast %add3A_238 : i32 to index
        %get3A_240 = arith.constant 0 : index
        %get3A_241 = tpu.vector_load %arg6[%get3A_239, %get3A_240] {strides = array<i32>} : memref<200x32xf32, #tpu.memory_space<vmem>>, vector<16xf32>,
        %bitcast3A_242 = vector.bitcast %get3A_241 : vector<16xf32> to vector<32xbf16>
        %add3A_243 = arith.addf %add3A_236, %bitcast3A_242 : vector<32xbf16>
        %unpack3A_244 = tpu.unpack_subelements %add3A_243, 0 {pack_format = #tpu.pack_format<interleaved>} : vector<32xbf16> -> vector<16xf32>
        %unpack3A_245 = tpu.unpack_subelements %add3A_243, 1 {pack_format = #tpu.pack_format<interleaved>} : vector<32xbf16> -> vector<16xf32>
        %add3A_246 = arith.addf %add3A_184, %unpack3A_244 : vector<16xf32>
        %add3A_247 = arith.addf %add3A_185, %unpack3A_245 : vector<16xf32>
        %get3A_248 = arith.index_cast %add3A_218 : i32 to index
        %get3A_249 = arith.constant 16 : index
        %get3A_250 = tpu.vector_load %arg6[%get3A_248, %get3A_249] {strides = array<i32>} : memref<200x32xf32, #tpu.memory_space<vmem>>, vector<16xf32>,
        %bitcast3A_251 = vector.bitcast %get3A_250 : vector<16xf32> to vector<32xbf16>
        %add3A_252 = arith.constant 1 : i32
        %add3A_253 = arith.addi %add3A_218, %add3A_252 : i32
        %get3A_254 = arith.index_cast %add3A_253 : i32 to index
        %get3A_255 = arith.constant 16 : index
        %get3A_256 = tpu.vector_load %arg6[%get3A_254, %get3A_255] {strides = array<i32>} : memref<200x32xf32, #tpu.memory_space<vmem>>, vector<16xf32>,
        %bitcast3A_257 = vector.bitcast %get3A_256 : vector<16xf32> to vector<32xbf16>
        %add3A_258 = arith.addf %bitcast3A_251, %bitcast3A_257 : vector<32xbf16>
        %add3A_259 = arith.constant 2 : i32
        %add3A_260 = arith.addi %add3A_218, %add3A_259 : i32
        %get3A_261 = arith.index_cast %add3A_260 : i32 to index
        %get3A_262 = arith.constant 16 : index
        %get3A_263 = tpu.vector_load %arg6[%get3A_261, %get3A_262] {strides = array<i32>} : memref<200x32xf32, #tpu.memory_space<vmem>>, vector<16xf32>,
        %bitcast3A_264 = vector.bitcast %get3A_263 : vector<16xf32> to vector<32xbf16>
        %add3A_265 = arith.addf %add3A_258, %bitcast3A_264 : vector<32xbf16>
        %add3A_266 = arith.constant 3 : i32
        %add3A_267 = arith.addi %add3A_218, %add3A_266 : i32
        %get3A_268 = arith.index_cast %add3A_267 : i32 to index
        %get3A_269 = arith.constant 16 : index
        %get3A_270 = tpu.vector_load %arg6[%get3A_268, %get3A_269] {strides = array<i32>} : memref<200x32xf32, #tpu.memory_space<vmem>>, vector<16xf32>,
        %bitcast3A_271 = vector.bitcast %get3A_270 : vector<16xf32> to vector<32xbf16>
        %add3A_272 = arith.addf %add3A_265, %bitcast3A_271 : vector<32xbf16>
        %unpack3A_273 = tpu.unpack_subelements %add3A_272, 0 {pack_format = #tpu.pack_format<interleaved>} : vector<32xbf16> -> vector<16xf32>
        %unpack3A_274 = tpu.unpack_subelements %add3A_272, 1 {pack_format = #tpu.pack_format<interleaved>} : vector<32xbf16> -> vector<16xf32>
        %add3A_275 = arith.addf %add3A_213, %unpack3A_273 : vector<16xf32>
        %add3A_276 = arith.addf %add3A_214, %unpack3A_274 : vector<16xf32>
        scf.yield %add3A_246, %add3A_247, %add3A_275, %add3A_276 : vector<16xf32>, vector<16xf32>, vector<16xf32>, vector<16xf32>
      }
      %scan3A_70 = arith.constant 25 : i32
      %mul3A_71 = vector.broadcast %scan3A_24 : f32 to vector<16xf32>
      %mul3A_72 = arith.mulf %scan3A_69#0, %mul3A_71 : vector<16xf32>
      %swap3A = arith.index_cast %add3A_36 : i32 to index
      %swap3A_73 = arith.constant 0 : index
      %swap3A_74 = tpu.vector_load %arg8[%swap3A, %swap3A_73] {strides = array<i32>} : memref<128x64xf32, #tpu.memory_space<vmem>>, vector<16xf32>,
      tpu.vector_store %arg8[%swap3A, %swap3A_73], %mul3A_72 {strides = array<i32>} : memref<128x64xf32, #tpu.memory_space<vmem>>, vector<16xf32>,
      %mul3A_75 = vector.broadcast %scan3A_24 : f32 to vector<16xf32>
      %mul3A_76 = arith.mulf %scan3A_69#1, %mul3A_75 : vector<16xf32>
      %swap3A_77 = arith.index_cast %add3A_36 : i32 to index
      %swap3A_78 = arith.constant 16 : index
      %swap3A_79 = tpu.vector_load %arg8[%swap3A_77, %swap3A_78] {strides = array<i32>} : memref<128x64xf32, #tpu.memory_space<vmem>>, vector<16xf32>,
      tpu.vector_store %arg8[%swap3A_77, %swap3A_78], %mul3A_76 {strides = array<i32>} : memref<128x64xf32, #tpu.memory_space<vmem>>, vector<16xf32>,
      %mul3A_80 = vector.broadcast %scan3A_24 : f32 to vector<16xf32>
      %mul3A_81 = arith.mulf %scan3A_69#2, %mul3A_80 : vector<16xf32>
      %swap3A_82 = arith.index_cast %add3A_36 : i32 to index
      %swap3A_83 = arith.constant 32 : index
      %swap3A_84 = tpu.vector_load %arg8[%swap3A_82, %swap3A_83] {strides = array<i32>} : memref<128x64xf32, #tpu.memory_space<vmem>>, vector<16xf32>,
      tpu.vector_store %arg8[%swap3A_82, %swap3A_83], %mul3A_81 {strides = array<i32>} : memref<128x64xf32, #tpu.memory_space<vmem>>, vector<16xf32>,
      %mul3A_85 = vector.broadcast %scan3A_24 : f32 to vector<16xf32>
      %mul3A_86 = arith.mulf %scan3A_69#3, %mul3A_85 : vector<16xf32>
      %swap3A_87 = arith.index_cast %add3A_36 : i32 to index
      %swap3A_88 = arith.constant 48 : index
      %swap3A_89 = tpu.vector_load %arg8[%swap3A_87, %swap3A_88] {strides = array<i32>} : memref<128x64xf32, #tpu.memory_space<vmem>>, vector<16xf32>,
      tpu.vector_store %arg8[%swap3A_87, %swap3A_88], %mul3A_86 {strides = array<i32>} : memref<128x64xf32, #tpu.memory_space<vmem>>, vector<16xf32>,
      %add3A_90 = arith.constant 1 : i32
      %add3A_91 = arith.addi %add3A_34, %add3A_90 : i32
      %add3A_92 = arith.constant 1 : i32
      %add3A_93 = arith.addi %add3A_91, %add3A_92 : i32
      %lt3A_94 = arith.constant 128 : i32
      %lt3A_95 = arith.cmpi slt, %add3A_93, %lt3A_94 : i32
      %convert_element_type3A_96 = arith.extui %lt3A_95 : i1 to i32
      %cond3A_97 = arith.constant 0 : i32
      %cond3A_98 = arith.cmpi ne, %convert_element_type3A_96, %cond3A_97 : i32
      scf.if %cond3A_98 {
        %mul3A_151 = arith.constant 200 : i32
        %mul3A_152 = arith.muli %add3A_93, %mul3A_151 : i32
        %add3A_153 = arith.constant 128 : i32
        %add3A_154 = arith.addi %mul3A_152, %add3A_153 : i32
        %dma_start3A_155 = arith.constant 0 : i32
        %dma_start3A_156 = arith.constant 0 : i32
        %dma_start3A_157 = tpu.memref_slice %arg6[%dma_start3A_155, %dma_start3A_156] : memref<200x32xf32, #tpu.memory_space<vmem>> -> memref<128x32xf32, #tpu.memory_space<vmem>>
        %dma_start3A_158 = tpu.memref_slice %arg5[%mul3A_152] : memref<25600xi32, #tpu.memory_space<vmem>> -> memref<128xi32, #tpu.memory_space<vmem>>
        %dma_start3A_159 = arith.constant 0 : i32
        %dma_start3A_160 = arith.constant 0 : i32
        %dma_start3A_161 = tpu.memref_slice %arg3[%dma_start3A_159, %dma_start3A_160] : memref<1015808x32xf32, #tpu.memory_space<hbm>> -> memref<1015808x32xf32, #tpu.memory_space<hbm>>
        tpu.enqueue_indirect_dma source(%dma_start3A_161 : memref<1015808x32xf32, #tpu.memory_space<hbm>>) target(%dma_start3A_157 : memref<128x32xf32, #tpu.memory_space<vmem>>) offsets(%dma_start3A_158 : memref<128xi32, #tpu.memory_space<vmem>>) semaphore(%arg9 : memref<!tpu.dma_semaphore, #tpu.memory_space<semaphore_mem>>)
        %dma_start3A_162 = arith.constant 128 : i32
        %dma_start3A_163 = arith.constant 0 : i32
        %dma_start3A_164 = tpu.memref_slice %arg6[%dma_start3A_162, %dma_start3A_163] : memref<200x32xf32, #tpu.memory_space<vmem>> -> memref<72x32xf32, #tpu.memory_space<vmem>>
        %dma_start3A_165 = tpu.memref_slice %arg5[%add3A_154] : memref<25600xi32, #tpu.memory_space<vmem>> -> memref<72xi32, #tpu.memory_space<vmem>>
        %dma_start3A_166 = arith.constant 0 : i32
        %dma_start3A_167 = arith.constant 0 : i32
        %dma_start3A_168 = tpu.memref_slice %arg3[%dma_start3A_166, %dma_start3A_167] : memref<1015808x32xf32, #tpu.memory_space<hbm>> -> memref<1015808x32xf32, #tpu.memory_space<hbm>>
        tpu.enqueue_indirect_dma source(%dma_start3A_168 : memref<1015808x32xf32, #tpu.memory_space<hbm>>) target(%dma_start3A_164 : memref<72x32xf32, #tpu.memory_space<vmem>>) offsets(%dma_start3A_165 : memref<72xi32, #tpu.memory_space<vmem>>) semaphore(%arg9 : memref<!tpu.dma_semaphore, #tpu.memory_space<semaphore_mem>>)
      } else {
      }
      %mul3A_99 = arith.constant 200 : i32
      %mul3A_100 = arith.muli %add3A_91, %mul3A_99 : i32
      %add3A_101 = arith.constant 128 : i32
      %add3A_102 = arith.addi %mul3A_100, %add3A_101 : i32
      %dma_wait3A_103 = arith.constant 0 : i32
      %dma_wait3A_104 = arith.constant 0 : i32
      %dma_wait3A_105 = tpu.memref_slice %arg7[%dma_wait3A_103, %dma_wait3A_104] : memref<200x32xf32, #tpu.memory_space<vmem>> -> memref<128x32xf32, #tpu.memory_space<vmem>>
      %dma_wait3A_106 = tpu.memref_slice %arg5[%mul3A_100] : memref<25600xi32, #tpu.memory_space<vmem>> -> memref<128xi32, #tpu.memory_space<vmem>>
      %dma_wait3A_107 = arith.constant 0 : i32
      %dma_wait3A_108 = arith.constant 0 : i32
      %dma_wait3A_109 = tpu.memref_slice %arg3[%dma_wait3A_107, %dma_wait3A_108] : memref<1015808x32xf32, #tpu.memory_space<hbm>> -> memref<1015808x32xf32, #tpu.memory_space<hbm>>
      tpu.wait_indirect_dma semaphore(%arg10 : memref<!tpu.dma_semaphore, #tpu.memory_space<semaphore_mem>>) src(%dma_wait3A_109 : memref<1015808x32xf32, #tpu.memory_space<hbm>>) dst(%dma_wait3A_105 : memref<128x32xf32, #tpu.memory_space<vmem>>)
      %dma_wait3A_110 = arith.constant 128 : i32
      %dma_wait3A_111 = arith.constant 0 : i32
      %dma_wait3A_112 = tpu.memref_slice %arg7[%dma_wait3A_110, %dma_wait3A_111] : memref<200x32xf32, #tpu.memory_space<vmem>> -> memref<72x32xf32, #tpu.memory_space<vmem>>
      %dma_wait3A_113 = tpu.memref_slice %arg5[%add3A_102] : memref<25600xi32, #tpu.memory_space<vmem>> -> memref<72xi32, #tpu.memory_space<vmem>>
      %dma_wait3A_114 = arith.constant 0 : i32
      %dma_wait3A_115 = arith.constant 0 : i32
      %dma_wait3A_116 = tpu.memref_slice %arg3[%dma_wait3A_114, %dma_wait3A_115] : memref<1015808x32xf32, #tpu.memory_space<hbm>> -> memref<1015808x32xf32, #tpu.memory_space<hbm>>
      tpu.wait_indirect_dma semaphore(%arg10 : memref<!tpu.dma_semaphore, #tpu.memory_space<semaphore_mem>>) src(%dma_wait3A_116 : memref<1015808x32xf32, #tpu.memory_space<hbm>>) dst(%dma_wait3A_112 : memref<72x32xf32, #tpu.memory_space<vmem>>)
      %broadcast_in_dim3A_117 = arith.constant 0.000000e+00 : f32
      %broadcast_in_dim3A_118 = vector.broadcast %broadcast_in_dim3A_117 : f32 to vector<16xf32>
      %broadcast_in_dim3A_119 = arith.constant 0.000000e+00 : f32
      %broadcast_in_dim3A_120 = vector.broadcast %broadcast_in_dim3A_119 : f32 to vector<16xf32>
      %broadcast_in_dim3A_121 = arith.constant 0.000000e+00 : f32
      %broadcast_in_dim3A_122 = vector.broadcast %broadcast_in_dim3A_121 : f32 to vector<16xf32>
      %broadcast_in_dim3A_123 = arith.constant 0.000000e+00 : f32
      %broadcast_in_dim3A_124 = vector.broadcast %broadcast_in_dim3A_123 : f32 to vector<16xf32>
      %scan3A_125 = arith.constant 0 : i32
      %scan3A_126 = arith.constant 25 : i32
      %scan3A_127 = arith.addi %scan3A_125, %scan3A_126 : i32
      %scan3A_128 = arith.constant 1 : i32
      %scan3A_129:4 = scf.for %scan3A_151 = %scan3A_125 to %scan3A_127 step %scan3A_128 iter_args(%scan3A_152 = %broadcast_in_dim3A_118, %scan3A_153 = %broadcast_in_dim3A_120, %scan3A_154 = %broadcast_in_dim3A_122, %scan3A_155 = %broadcast_in_dim3A_124) -> (vector<16xf32>, vector<16xf32>, vector<16xf32>, vector<16xf32>)  : i32 {
        %mul3A_156 = arith.constant 8 : i32
        %mul3A_157 = arith.muli %scan3A_151, %mul3A_156 : i32
        %add3A_158 = arith.constant 0 : i32
        %add3A_159 = arith.addi %mul3A_157, %add3A_158 : i32
        %get3A = arith.index_cast %add3A_159 : i32 to index
        %get3A_160 = arith.constant 0 : index
        %get3A_161 = tpu.vector_load %arg7[%get3A, %get3A_160] {strides = array<i32>} : memref<200x32xf32, #tpu.memory_space<vmem>>, vector<16xf32>,
        %bitcast3A = vector.bitcast %get3A_161 : vector<16xf32> to vector<32xbf16>
        %add3A_162 = arith.constant 1 : i32
        %add3A_163 = arith.addi %add3A_159, %add3A_162 : i32
        %get3A_164 = arith.index_cast %add3A_163 : i32 to index
        %get3A_165 = arith.constant 0 : index
        %get3A_166 = tpu.vector_load %arg7[%get3A_164, %get3A_165] {strides = array<i32>} : memref<200x32xf32, #tpu.memory_space<vmem>>, vector<16xf32>,
        %bitcast3A_167 = vector.bitcast %get3A_166 : vector<16xf32> to vector<32xbf16>
        %add3A_168 = arith.addf %bitcast3A, %bitcast3A_167 : vector<32xbf16>
        %add3A_169 = arith.constant 2 : i32
        %add3A_170 = arith.addi %add3A_159, %add3A_169 : i32
        %get3A_171 = arith.index_cast %add3A_170 : i32 to index
        %get3A_172 = arith.constant 0 : index
        %get3A_173 = tpu.vector_load %arg7[%get3A_171, %get3A_172] {strides = array<i32>} : memref<200x32xf32, #tpu.memory_space<vmem>>, vector<16xf32>,
        %bitcast3A_174 = vector.bitcast %get3A_173 : vector<16xf32> to vector<32xbf16>
        %add3A_175 = arith.addf %add3A_168, %bitcast3A_174 : vector<32xbf16>
        %add3A_176 = arith.constant 3 : i32
        %add3A_177 = arith.addi %add3A_159, %add3A_176 : i32
        %get3A_178 = arith.index_cast %add3A_177 : i32 to index
        %get3A_179 = arith.constant 0 : index
        %get3A_180 = tpu.vector_load %arg7[%get3A_178, %get3A_179] {strides = array<i32>} : memref<200x32xf32, #tpu.memory_space<vmem>>, vector<16xf32>,
        %bitcast3A_181 = vector.bitcast %get3A_180 : vector<16xf32> to vector<32xbf16>
        %add3A_182 = arith.addf %add3A_175, %bitcast3A_181 : vector<32xbf16>
        %unpack3A = tpu.unpack_subelements %add3A_182, 0 {pack_format = #tpu.pack_format<interleaved>} : vector<32xbf16> -> vector<16xf32>
        %unpack3A_183 = tpu.unpack_subelements %add3A_182, 1 {pack_format = #tpu.pack_format<interleaved>} : vector<32xbf16> -> vector<16xf32>
        %add3A_184 = arith.addf %scan3A_152, %unpack3A : vector<16xf32>
        %add3A_185 = arith.addf %scan3A_153, %unpack3A_183 : vector<16xf32>
        %get3A_186 = arith.index_cast %add3A_159 : i32 to index
        %get3A_187 = arith.constant 16 : index
        %get3A_188 = tpu.vector_load %arg7[%get3A_186, %get3A_187] {strides = array<i32>} : memref<200x32xf32, #tpu.memory_space<vmem>>, vector<16xf32>,
        %bitcast3A_189 = vector.bitcast %get3A_188 : vector<16xf32> to vector<32xbf16>
        %add3A_190 = arith.constant 1 : i32
        %add3A_191 = arith.addi %add3A_159, %add3A_190 : i32
        %get3A_192 = arith.index_cast %add3A_191 : i32 to index
        %get3A_193 = arith.constant 16 : index
        %get3A_194 = tpu.vector_load %arg7[%get3A_192, %get3A_193] {strides = array<i32>} : memref<200x32xf32, #tpu.memory_space<vmem>>, vector<16xf32>,
        %bitcast3A_195 = vector.bitcast %get3A_194 : vector<16xf32> to vector<32xbf16>
        %add3A_196 = arith.addf %bitcast3A_189, %bitcast3A_195 : vector<32xbf16>
        %add3A_197 = arith.constant 2 : i32
        %add3A_198 = arith.addi %add3A_159, %add3A_197 : i32
        %get3A_199 = arith.index_cast %add3A_198 : i32 to index
        %get3A_200 = arith.constant 16 : index
        %get3A_201 = tpu.vector_load %arg7[%get3A_199, %get3A_200] {strides = array<i32>} : memref<200x32xf32, #tpu.memory_space<vmem>>, vector<16xf32>,
        %bitcast3A_202 = vector.bitcast %get3A_201 : vector<16xf32> to vector<32xbf16>
        %add3A_203 = arith.addf %add3A_196, %bitcast3A_202 : vector<32xbf16>
        %add3A_204 = arith.constant 3 : i32
        %add3A_205 = arith.addi %add3A_159, %add3A_204 : i32
        %get3A_206 = arith.index_cast %add3A_205 : i32 to index
        %get3A_207 = arith.constant 16 : index
        %get3A_208 = tpu.vector_load %arg7[%get3A_206, %get3A_207] {strides = array<i32>} : memref<200x32xf32, #tpu.memory_space<vmem>>, vector<16xf32>,
        %bitcast3A_209 = vector.bitcast %get3A_208 : vector<16xf32> to vector<32xbf16>
        %add3A_210 = arith.addf %add3A_203, %bitcast3A_209 : vector<32xbf16>
        %unpack3A_211 = tpu.unpack_subelements %add3A_210, 0 {pack_format = #tpu.pack_format<interleaved>} : vector<32xbf16> -> vector<16xf32>
        %unpack3A_212 = tpu.unpack_subelements %add3A_210, 1 {pack_format = #tpu.pack_format<interleaved>} : vector<32xbf16> -> vector<16xf32>
        %add3A_213 = arith.addf %scan3A_154, %unpack3A_211 : vector<16xf32>
        %add3A_214 = arith.addf %scan3A_155, %unpack3A_212 : vector<16xf32>
        %mul3A_215 = arith.constant 8 : i32
        %mul3A_216 = arith.muli %scan3A_151, %mul3A_215 : i32
        %add3A_217 = arith.constant 4 : i32
        %add3A_218 = arith.addi %mul3A_216, %add3A_217 : i32
        %get3A_219 = arith.index_cast %add3A_218 : i32 to index
        %get3A_220 = arith.constant 0 : index
        %get3A_221 = tpu.vector_load %arg7[%get3A_219, %get3A_220] {strides = array<i32>} : memref<200x32xf32, #tpu.memory_space<vmem>>, vector<16xf32>,
        %bitcast3A_222 = vector.bitcast %get3A_221 : vector<16xf32> to vector<32xbf16>
        %add3A_223 = arith.constant 1 : i32
        %add3A_224 = arith.addi %add3A_218, %add3A_223 : i32
        %get3A_225 = arith.index_cast %add3A_224 : i32 to index
        %get3A_226 = arith.constant 0 : index
        %get3A_227 = tpu.vector_load %arg7[%get3A_225, %get3A_226] {strides = array<i32>} : memref<200x32xf32, #tpu.memory_space<vmem>>, vector<16xf32>,
        %bitcast3A_228 = vector.bitcast %get3A_227 : vector<16xf32> to vector<32xbf16>
        %add3A_229 = arith.addf %bitcast3A_222, %bitcast3A_228 : vector<32xbf16>
        %add3A_230 = arith.constant 2 : i32
        %add3A_231 = arith.addi %add3A_218, %add3A_230 : i32
        %get3A_232 = arith.index_cast %add3A_231 : i32 to index
        %get3A_233 = arith.constant 0 : index
        %get3A_234 = tpu.vector_load %arg7[%get3A_232, %get3A_233] {strides = array<i32>} : memref<200x32xf32, #tpu.memory_space<vmem>>, vector<16xf32>,
        %bitcast3A_235 = vector.bitcast %get3A_234 : vector<16xf32> to vector<32xbf16>
        %add3A_236 = arith.addf %add3A_229, %bitcast3A_235 : vector<32xbf16>
        %add3A_237 = arith.constant 3 : i32
        %add3A_238 = arith.addi %add3A_218, %add3A_237 : i32
        %get3A_239 = arith.index_cast %add3A_238 : i32 to index
        %get3A_240 = arith.constant 0 : index
        %get3A_241 = tpu.vector_load %arg7[%get3A_239, %get3A_240] {strides = array<i32>} : memref<200x32xf32, #tpu.memory_space<vmem>>, vector<16xf32>,
        %bitcast3A_242 = vector.bitcast %get3A_241 : vector<16xf32> to vector<32xbf16>
        %add3A_243 = arith.addf %add3A_236, %bitcast3A_242 : vector<32xbf16>
        %unpack3A_244 = tpu.unpack_subelements %add3A_243, 0 {pack_format = #tpu.pack_format<interleaved>} : vector<32xbf16> -> vector<16xf32>
        %unpack3A_245 = tpu.unpack_subelements %add3A_243, 1 {pack_format = #tpu.pack_format<interleaved>} : vector<32xbf16> -> vector<16xf32>
        %add3A_246 = arith.addf %add3A_184, %unpack3A_244 : vector<16xf32>
        %add3A_247 = arith.addf %add3A_185, %unpack3A_245 : vector<16xf32>
        %get3A_248 = arith.index_cast %add3A_218 : i32 to index
        %get3A_249 = arith.constant 16 : index
        %get3A_250 = tpu.vector_load %arg7[%get3A_248, %get3A_249] {strides = array<i32>} : memref<200x32xf32, #tpu.memory_space<vmem>>, vector<16xf32>,
        %bitcast3A_251 = vector.bitcast %get3A_250 : vector<16xf32> to vector<32xbf16>
        %add3A_252 = arith.constant 1 : i32
        %add3A_253 = arith.addi %add3A_218, %add3A_252 : i32
        %get3A_254 = arith.index_cast %add3A_253 : i32 to index
        %get3A_255 = arith.constant 16 : index
        %get3A_256 = tpu.vector_load %arg7[%get3A_254, %get3A_255] {strides = array<i32>} : memref<200x32xf32, #tpu.memory_space<vmem>>, vector<16xf32>,
        %bitcast3A_257 = vector.bitcast %get3A_256 : vector<16xf32> to vector<32xbf16>
        %add3A_258 = arith.addf %bitcast3A_251, %bitcast3A_257 : vector<32xbf16>
        %add3A_259 = arith.constant 2 : i32
        %add3A_260 = arith.addi %add3A_218, %add3A_259 : i32
        %get3A_261 = arith.index_cast %add3A_260 : i32 to index
        %get3A_262 = arith.constant 16 : index
        %get3A_263 = tpu.vector_load %arg7[%get3A_261, %get3A_262] {strides = array<i32>} : memref<200x32xf32, #tpu.memory_space<vmem>>, vector<16xf32>,
        %bitcast3A_264 = vector.bitcast %get3A_263 : vector<16xf32> to vector<32xbf16>
        %add3A_265 = arith.addf %add3A_258, %bitcast3A_264 : vector<32xbf16>
        %add3A_266 = arith.constant 3 : i32
        %add3A_267 = arith.addi %add3A_218, %add3A_266 : i32
        %get3A_268 = arith.index_cast %add3A_267 : i32 to index
        %get3A_269 = arith.constant 16 : index
        %get3A_270 = tpu.vector_load %arg7[%get3A_268, %get3A_269] {strides = array<i32>} : memref<200x32xf32, #tpu.memory_space<vmem>>, vector<16xf32>,
        %bitcast3A_271 = vector.bitcast %get3A_270 : vector<16xf32> to vector<32xbf16>
        %add3A_272 = arith.addf %add3A_265, %bitcast3A_271 : vector<32xbf16>
        %unpack3A_273 = tpu.unpack_subelements %add3A_272, 0 {pack_format = #tpu.pack_format<interleaved>} : vector<32xbf16> -> vector<16xf32>
        %unpack3A_274 = tpu.unpack_subelements %add3A_272, 1 {pack_format = #tpu.pack_format<interleaved>} : vector<32xbf16> -> vector<16xf32>
        %add3A_275 = arith.addf %add3A_213, %unpack3A_273 : vector<16xf32>
        %add3A_276 = arith.addf %add3A_214, %unpack3A_274 : vector<16xf32>
        scf.yield %add3A_246, %add3A_247, %add3A_275, %add3A_276 : vector<16xf32>, vector<16xf32>, vector<16xf32>, vector<16xf32>
      }
      %scan3A_130 = arith.constant 25 : i32
      %mul3A_131 = vector.broadcast %scan3A_24 : f32 to vector<16xf32>
      %mul3A_132 = arith.mulf %scan3A_129#0, %mul3A_131 : vector<16xf32>
      %swap3A_133 = arith.index_cast %add3A_91 : i32 to index
      %swap3A_134 = arith.constant 0 : index
      %swap3A_135 = tpu.vector_load %arg8[%swap3A_133, %swap3A_134] {strides = array<i32>} : memref<128x64xf32, #tpu.memory_space<vmem>>, vector<16xf32>,
      tpu.vector_store %arg8[%swap3A_133, %swap3A_134], %mul3A_132 {strides = array<i32>} : memref<128x64xf32, #tpu.memory_space<vmem>>, vector<16xf32>,
      %mul3A_136 = vector.broadcast %scan3A_24 : f32 to vector<16xf32>
      %mul3A_137 = arith.mulf %scan3A_129#1, %mul3A_136 : vector<16xf32>
      %swap3A_138 = arith.index_cast %add3A_91 : i32 to index
      %swap3A_139 = arith.constant 16 : index
      %swap3A_140 = tpu.vector_load %arg8[%swap3A_138, %swap3A_139] {strides = array<i32>} : memref<128x64xf32, #tpu.memory_space<vmem>>, vector<16xf32>,
      tpu.vector_store %arg8[%swap3A_138, %swap3A_139], %mul3A_137 {strides = array<i32>} : memref<128x64xf32, #tpu.memory_space<vmem>>, vector<16xf32>,
      %mul3A_141 = vector.broadcast %scan3A_24 : f32 to vector<16xf32>
      %mul3A_142 = arith.mulf %scan3A_129#2, %mul3A_141 : vector<16xf32>
      %swap3A_143 = arith.index_cast %add3A_91 : i32 to index
      %swap3A_144 = arith.constant 32 : index
      %swap3A_145 = tpu.vector_load %arg8[%swap3A_143, %swap3A_144] {strides = array<i32>} : memref<128x64xf32, #tpu.memory_space<vmem>>, vector<16xf32>,
      tpu.vector_store %arg8[%swap3A_143, %swap3A_144], %mul3A_142 {strides = array<i32>} : memref<128x64xf32, #tpu.memory_space<vmem>>, vector<16xf32>,
      %mul3A_146 = vector.broadcast %scan3A_24 : f32 to vector<16xf32>
      %mul3A_147 = arith.mulf %scan3A_129#3, %mul3A_146 : vector<16xf32>
      %swap3A_148 = arith.index_cast %add3A_91 : i32 to index
      %swap3A_149 = arith.constant 48 : index
      %swap3A_150 = tpu.vector_load %arg8[%swap3A_148, %swap3A_149] {strides = array<i32>} : memref<128x64xf32, #tpu.memory_space<vmem>>, vector<16xf32>,
      tpu.vector_store %arg8[%swap3A_148, %swap3A_149], %mul3A_147 {strides = array<i32>} : memref<128x64xf32, #tpu.memory_space<vmem>>, vector<16xf32>,
    }
    %scan3A_29 = arith.constant 64 : i32
    "tpu.region"() ({
      %run_scoped3A = tpu.sem_alloc : memref<!tpu.dma_semaphore, #tpu.memory_space<semaphore_mem>>
      %dma_start3A_30 = arith.constant 0 : i32
      %dma_start3A_31 = tpu.memref_slice %arg4[%mul3A_2, %dma_start3A_30] : memref<4096x64xf32, #tpu.memory_space<hbm>> -> memref<128x64xf32, #tpu.memory_space<hbm>>
      %dma_start3A_32 = arith.constant 0 : i32
      %dma_start3A_33 = tpu.memref_slice %arg4[%mul3A_2, %dma_start3A_32] : memref<4096x64xf32, #tpu.memory_space<hbm>> -> memref<128x64xf32, #tpu.memory_space<hbm>>
      tpu.enqueue_dma source(%arg8 : memref<128x64xf32, #tpu.memory_space<vmem>>) target(%dma_start3A_33 : memref<128x64xf32, #tpu.memory_space<hbm>>) target_semaphore(%run_scoped3A : memref<!tpu.dma_semaphore, #tpu.memory_space<semaphore_mem>>)
      %dma_wait3A = arith.constant 0 : i32
      %dma_wait3A_34 = tpu.memref_slice %arg4[%mul3A_2, %dma_wait3A] : memref<4096x64xf32, #tpu.memory_space<hbm>> -> memref<128x64xf32, #tpu.memory_space<hbm>>
      %dma_wait3A_35 = arith.constant 0 : i32
      %dma_wait3A_36 = tpu.memref_slice %arg4[%mul3A_2, %dma_wait3A_35] : memref<4096x64xf32, #tpu.memory_space<hbm>> -> memref<128x64xf32, #tpu.memory_space<hbm>>
      tpu.wait_dma2 semaphore(%run_scoped3A : memref<!tpu.dma_semaphore, #tpu.memory_space<semaphore_mem>>) src(%arg8 : memref<128x64xf32, #tpu.memory_space<vmem>>) dst(%dma_wait3A_36 : memref<128x64xf32, #tpu.memory_space<hbm>>)
      tpu.yield
    }) : () -> ()
    return
  }
}

module attributes {stable_mosaic.version = 14 : i64} {
  func.func @_tr_body(%arg0: i32, %arg1: memref<32x8192xf32, #tpu.memory_space<vmem>>, %arg2: memref<32x8192xf32, #tpu.memory_space<vmem>>, %arg3: memref<32x8192xf32, #tpu.memory_space<vmem>>, %arg4: memref<32x8192xf32, #tpu.memory_space<vmem>>, %arg5: memref<32x8192xf32, #tpu.memory_space<vmem>>, %arg6: memref<32x8192xf32, #tpu.memory_space<vmem>>, %arg7: memref<32x8192xf32, #tpu.memory_space<vmem>>, %arg8: memref<32x8192xf32, #tpu.memory_space<vmem>>, %arg9: memref<8192x128xf32, #tpu.memory_space<vmem>>) attributes {dimension_semantics = [#tpu.dimension_semantics<arbitrary>], iteration_bounds = array<i64: 31>, scalar_prefetch = 0 : i64, scratch_operands = 0 : i64, tpu.core_type = #tpu.core_type<tc>, window_params = [{transform_indices = @transform_0, window_bounds = array<i64: 32, 8192>}, {transform_indices = @transform_1, window_bounds = array<i64: 32, 8192>}, {transform_indices = @transform_2, window_bounds = array<i64: 32, 8192>}, {transform_indices = @transform_3, window_bounds = array<i64: 32, 8192>}, {transform_indices = @transform_4, window_bounds = array<i64: 32, 8192>}, {transform_indices = @transform_5, window_bounds = array<i64: 32, 8192>}, {transform_indices = @transform_6, window_bounds = array<i64: 32, 8192>}, {transform_indices = @transform_7, window_bounds = array<i64: 32, 8192>}, {transform_indices = @transform_8, window_bounds = array<i64: 8192, 128>}]} {
    %get3A = arith.constant 0 : index
    %get3A_0 = arith.constant 0 : index
    %get3A_1 = vector.load %arg1[%get3A, %get3A_0] : memref<32x8192xf32, #tpu.memory_space<vmem>>, vector<32x8192xf32>
    %bitcast_convert_type3A = tpu.bitcast %get3A_1 : vector<32x8192xf32> -> vector<32x8192xi32>
    %add3A = arith.constant 32768 : i32
    %add3A_2 = vector.broadcast %add3A : i32 to vector<32x8192xi32>
    %add3A_3 = arith.addi %bitcast_convert_type3A, %add3A_2 : vector<32x8192xi32>
    %shift_right_logical3A = arith.constant 16 : i32
    %shift_right_logical3A_4 = vector.broadcast %shift_right_logical3A : i32 to vector<32x8192xi32>
    %shift_right_logical3A_5 = arith.shrui %add3A_3, %shift_right_logical3A_4 : vector<32x8192xi32>
    %get3A_6 = arith.constant 0 : index
    %get3A_7 = arith.constant 0 : index
    %get3A_8 = vector.load %arg2[%get3A_6, %get3A_7] : memref<32x8192xf32, #tpu.memory_space<vmem>>, vector<32x8192xf32>
    %bitcast_convert_type3A_9 = tpu.bitcast %get3A_8 : vector<32x8192xf32> -> vector<32x8192xi32>
    %add3A_10 = arith.constant 32768 : i32
    %add3A_11 = vector.broadcast %add3A_10 : i32 to vector<32x8192xi32>
    %add3A_12 = arith.addi %bitcast_convert_type3A_9, %add3A_11 : vector<32x8192xi32>
    %and3A = arith.constant -65536 : i32
    %and3A_13 = vector.broadcast %and3A : i32 to vector<32x8192xi32>
    %and3A_14 = arith.andi %add3A_12, %and3A_13 : vector<32x8192xi32>
    %or3A = arith.ori %and3A_14, %shift_right_logical3A_5 : vector<32x8192xi32>
    %get3A_15 = arith.constant 0 : index
    %get3A_16 = arith.constant 0 : index
    %get3A_17 = vector.load %arg3[%get3A_15, %get3A_16] : memref<32x8192xf32, #tpu.memory_space<vmem>>, vector<32x8192xf32>
    %bitcast_convert_type3A_18 = tpu.bitcast %get3A_17 : vector<32x8192xf32> -> vector<32x8192xi32>
    %add3A_19 = arith.constant 32768 : i32
    %add3A_20 = vector.broadcast %add3A_19 : i32 to vector<32x8192xi32>
    %add3A_21 = arith.addi %bitcast_convert_type3A_18, %add3A_20 : vector<32x8192xi32>
    %shift_right_logical3A_22 = arith.constant 16 : i32
    %shift_right_logical3A_23 = vector.broadcast %shift_right_logical3A_22 : i32 to vector<32x8192xi32>
    %shift_right_logical3A_24 = arith.shrui %add3A_21, %shift_right_logical3A_23 : vector<32x8192xi32>
    %get3A_25 = arith.constant 0 : index
    %get3A_26 = arith.constant 0 : index
    %get3A_27 = vector.load %arg4[%get3A_25, %get3A_26] : memref<32x8192xf32, #tpu.memory_space<vmem>>, vector<32x8192xf32>
    %bitcast_convert_type3A_28 = tpu.bitcast %get3A_27 : vector<32x8192xf32> -> vector<32x8192xi32>
    %add3A_29 = arith.constant 32768 : i32
    %add3A_30 = vector.broadcast %add3A_29 : i32 to vector<32x8192xi32>
    %add3A_31 = arith.addi %bitcast_convert_type3A_28, %add3A_30 : vector<32x8192xi32>
    %and3A_32 = arith.constant -65536 : i32
    %and3A_33 = vector.broadcast %and3A_32 : i32 to vector<32x8192xi32>
    %and3A_34 = arith.andi %add3A_31, %and3A_33 : vector<32x8192xi32>
    %or3A_35 = arith.ori %and3A_34, %shift_right_logical3A_24 : vector<32x8192xi32>
    %concatenate3A = tpu.concatenate %or3A, %or3A_35 in 0 : vector<32x8192xi32>, vector<32x8192xi32> -> vector<64x8192xi32>
    %transpose3A = tpu.transpose %concatenate3A, [1, 0] : vector<64x8192xi32> -> vector<8192x64xi32>
    %get3A_36 = arith.constant 0 : index
    %get3A_37 = arith.constant 0 : index
    %get3A_38 = vector.load %arg5[%get3A_36, %get3A_37] : memref<32x8192xf32, #tpu.memory_space<vmem>>, vector<32x8192xf32>
    %bitcast_convert_type3A_39 = tpu.bitcast %get3A_38 : vector<32x8192xf32> -> vector<32x8192xi32>
    %add3A_40 = arith.constant 32768 : i32
    %add3A_41 = vector.broadcast %add3A_40 : i32 to vector<32x8192xi32>
    %add3A_42 = arith.addi %bitcast_convert_type3A_39, %add3A_41 : vector<32x8192xi32>
    %shift_right_logical3A_43 = arith.constant 16 : i32
    %shift_right_logical3A_44 = vector.broadcast %shift_right_logical3A_43 : i32 to vector<32x8192xi32>
    %shift_right_logical3A_45 = arith.shrui %add3A_42, %shift_right_logical3A_44 : vector<32x8192xi32>
    %get3A_46 = arith.constant 0 : index
    %get3A_47 = arith.constant 0 : index
    %get3A_48 = vector.load %arg6[%get3A_46, %get3A_47] : memref<32x8192xf32, #tpu.memory_space<vmem>>, vector<32x8192xf32>
    %bitcast_convert_type3A_49 = tpu.bitcast %get3A_48 : vector<32x8192xf32> -> vector<32x8192xi32>
    %add3A_50 = arith.constant 32768 : i32
    %add3A_51 = vector.broadcast %add3A_50 : i32 to vector<32x8192xi32>
    %add3A_52 = arith.addi %bitcast_convert_type3A_49, %add3A_51 : vector<32x8192xi32>
    %and3A_53 = arith.constant -65536 : i32
    %and3A_54 = vector.broadcast %and3A_53 : i32 to vector<32x8192xi32>
    %and3A_55 = arith.andi %add3A_52, %and3A_54 : vector<32x8192xi32>
    %or3A_56 = arith.ori %and3A_55, %shift_right_logical3A_45 : vector<32x8192xi32>
    %get3A_57 = arith.constant 0 : index
    %get3A_58 = arith.constant 0 : index
    %get3A_59 = vector.load %arg7[%get3A_57, %get3A_58] : memref<32x8192xf32, #tpu.memory_space<vmem>>, vector<32x8192xf32>
    %bitcast_convert_type3A_60 = tpu.bitcast %get3A_59 : vector<32x8192xf32> -> vector<32x8192xi32>
    %add3A_61 = arith.constant 32768 : i32
    %add3A_62 = vector.broadcast %add3A_61 : i32 to vector<32x8192xi32>
    %add3A_63 = arith.addi %bitcast_convert_type3A_60, %add3A_62 : vector<32x8192xi32>
    %shift_right_logical3A_64 = arith.constant 16 : i32
    %shift_right_logical3A_65 = vector.broadcast %shift_right_logical3A_64 : i32 to vector<32x8192xi32>
    %shift_right_logical3A_66 = arith.shrui %add3A_63, %shift_right_logical3A_65 : vector<32x8192xi32>
    %get3A_67 = arith.constant 0 : index
    %get3A_68 = arith.constant 0 : index
    %get3A_69 = vector.load %arg8[%get3A_67, %get3A_68] : memref<32x8192xf32, #tpu.memory_space<vmem>>, vector<32x8192xf32>
    %bitcast_convert_type3A_70 = tpu.bitcast %get3A_69 : vector<32x8192xf32> -> vector<32x8192xi32>
    %add3A_71 = arith.constant 32768 : i32
    %add3A_72 = vector.broadcast %add3A_71 : i32 to vector<32x8192xi32>
    %add3A_73 = arith.addi %bitcast_convert_type3A_70, %add3A_72 : vector<32x8192xi32>
    %and3A_74 = arith.constant -65536 : i32
    %and3A_75 = vector.broadcast %and3A_74 : i32 to vector<32x8192xi32>
    %and3A_76 = arith.andi %add3A_73, %and3A_75 : vector<32x8192xi32>
    %or3A_77 = arith.ori %and3A_76, %shift_right_logical3A_66 : vector<32x8192xi32>
    %concatenate3A_78 = tpu.concatenate %or3A_56, %or3A_77 in 0 : vector<32x8192xi32>, vector<32x8192xi32> -> vector<64x8192xi32>
    %transpose3A_79 = tpu.transpose %concatenate3A_78, [1, 0] : vector<64x8192xi32> -> vector<8192x64xi32>
    %concatenate3A_80 = tpu.concatenate %transpose3A, %transpose3A_79 in 1 : vector<8192x64xi32>, vector<8192x64xi32> -> vector<8192x128xi32>
    %bitcast_convert_type3A_81 = tpu.bitcast %concatenate3A_80 : vector<8192x128xi32> -> vector<8192x128xf32>
    %swap3A = arith.constant 0 : index
    %swap3A_82 = arith.constant 0 : index
    %swap3A_83 = vector.load %arg9[%swap3A, %swap3A_82] : memref<8192x128xf32, #tpu.memory_space<vmem>>, vector<8192x128xf32>
    tpu.vector_store %arg9[%swap3A, %swap3A_82], %bitcast_convert_type3A_81 {strides = array<i32>} : memref<8192x128xf32, #tpu.memory_space<vmem>>, vector<8192x128xf32>,
    return
  }
  func.func @transform_0(%arg0: i32) -> (i32, i32) {
    %add3A = arith.constant 0 : i32
    %add3A_0 = arith.addi %add3A, %arg0 : i32
    %min3A = arith.constant 122 : i32
    %min3A_1 = arith.minsi %add3A_0, %min3A : i32
    %c0_i32 = arith.constant 0 : i32
    %c0_i32_2 = arith.constant 0 : i32
    return %c0_i32, %min3A_1 : i32, i32
  }
  func.func @transform_1(%arg0: i32) -> (i32, i32) {
    %add3A = arith.constant 0 : i32
    %add3A_0 = arith.addi %add3A, %arg0 : i32
    %min3A = arith.constant 122 : i32
    %min3A_1 = arith.minsi %add3A_0, %min3A : i32
    %c1_i32 = arith.constant 1 : i32
    %c0_i32 = arith.constant 0 : i32
    return %c1_i32, %min3A_1 : i32, i32
  }
  func.func @transform_2(%arg0: i32) -> (i32, i32) {
    %add3A = arith.constant 31 : i32
    %add3A_0 = arith.addi %add3A, %arg0 : i32
    %min3A = arith.constant 122 : i32
    %min3A_1 = arith.minsi %add3A_0, %min3A : i32
    %c0_i32 = arith.constant 0 : i32
    %c0_i32_2 = arith.constant 0 : i32
    return %c0_i32, %min3A_1 : i32, i32
  }
  func.func @transform_3(%arg0: i32) -> (i32, i32) {
    %add3A = arith.constant 31 : i32
    %add3A_0 = arith.addi %add3A, %arg0 : i32
    %min3A = arith.constant 122 : i32
    %min3A_1 = arith.minsi %add3A_0, %min3A : i32
    %c1_i32 = arith.constant 1 : i32
    %c0_i32 = arith.constant 0 : i32
    return %c1_i32, %min3A_1 : i32, i32
  }
  func.func @transform_4(%arg0: i32) -> (i32, i32) {
    %add3A = arith.constant 62 : i32
    %add3A_0 = arith.addi %add3A, %arg0 : i32
    %min3A = arith.constant 122 : i32
    %min3A_1 = arith.minsi %add3A_0, %min3A : i32
    %c0_i32 = arith.constant 0 : i32
    %c0_i32_2 = arith.constant 0 : i32
    return %c0_i32, %min3A_1 : i32, i32
  }
  func.func @transform_5(%arg0: i32) -> (i32, i32) {
    %add3A = arith.constant 62 : i32
    %add3A_0 = arith.addi %add3A, %arg0 : i32
    %min3A = arith.constant 122 : i32
    %min3A_1 = arith.minsi %add3A_0, %min3A : i32
    %c1_i32 = arith.constant 1 : i32
    %c0_i32 = arith.constant 0 : i32
    return %c1_i32, %min3A_1 : i32, i32
  }
  func.func @transform_6(%arg0: i32) -> (i32, i32) {
    %add3A = arith.constant 93 : i32
    %add3A_0 = arith.addi %add3A, %arg0 : i32
    %min3A = arith.constant 122 : i32
    %min3A_1 = arith.minsi %add3A_0, %min3A : i32
    %c0_i32 = arith.constant 0 : i32
    %c0_i32_2 = arith.constant 0 : i32
    return %c0_i32, %min3A_1 : i32, i32
  }
  func.func @transform_7(%arg0: i32) -> (i32, i32) {
    %add3A = arith.constant 93 : i32
    %add3A_0 = arith.addi %add3A, %arg0 : i32
    %min3A = arith.constant 122 : i32
    %min3A_1 = arith.minsi %add3A_0, %min3A : i32
    %c1_i32 = arith.constant 1 : i32
    %c0_i32 = arith.constant 0 : i32
    return %c1_i32, %min3A_1 : i32, i32
  }
  func.func @transform_8(%arg0: i32) -> (i32, i32) {
    %c0_i32 = arith.constant 0 : i32
    %c0_i32_0 = arith.constant 0 : i32
    return %arg0, %c0_i32 : i32, i32
  }
}

module attributes {stable_mosaic.version = 14 : i64} {
  func.func @_mlp_body(%arg0: memref<4096x64xf32, #tpu.memory_space<vmem>>, %arg1: memref<64x128xf32, #tpu.memory_space<vmem>>, %arg2: memref<1x128xf32, #tpu.memory_space<vmem>>, %arg3: memref<128x128xf32, #tpu.memory_space<vmem>>, %arg4: memref<1x128xf32, #tpu.memory_space<vmem>>, %arg5: memref<128x128xf32, #tpu.memory_space<vmem>>, %arg6: memref<1x128xf32, #tpu.memory_space<vmem>>, %arg7: memref<4096x128xf32, #tpu.memory_space<vmem>>) attributes {dimension_semantics = [], scalar_prefetch = 0 : i64, scratch_operands = 0 : i64, tpu.core_type = #tpu.core_type<tc>} {
    %get3A = arith.constant 0 : index
    %get3A_0 = arith.constant 0 : index
    %get3A_1 = vector.load %arg0[%get3A, %get3A_0] : memref<4096x64xf32, #tpu.memory_space<vmem>>, vector<4096x64xf32>
    %get3A_2 = arith.constant 0 : index
    %get3A_3 = arith.constant 0 : index
    %get3A_4 = vector.load %arg1[%get3A_2, %get3A_3] : memref<64x128xf32, #tpu.memory_space<vmem>>, vector<64x128xf32>
    %dot_general3A = arith.constant dense<0.000000e+00> : vector<4096x128xf32>
    %dot_general3A_5 = tpu.matmul %get3A_1, %get3A_4, %dot_general3A {dimension_numbers = #tpu.dot_dimension_numbers<[1], [0], [0], [1], [0, 0, 1, 1], [], []>, transpose_lhs_hint = false} : vector<4096x64xf32>, vector<64x128xf32>, vector<4096x128xf32> -> vector<4096x128xf32>
    %get3A_6 = arith.constant 0 : index
    %get3A_7 = arith.constant 0 : index
    %get3A_8 = vector.load %arg2[%get3A_6, %get3A_7] : memref<1x128xf32, #tpu.memory_space<vmem>>, vector<1x128xf32>
    %add3A = vector.broadcast %get3A_8 : vector<1x128xf32> to vector<4096x128xf32>
    %add3A_9 = arith.addf %dot_general3A_5, %add3A : vector<4096x128xf32>
    %max3A = arith.constant 0.000000e+00 : f32
    %max3A_10 = vector.broadcast %max3A : f32 to vector<4096x128xf32>
    %max3A_11 = arith.maximumf %add3A_9, %max3A_10 : vector<4096x128xf32>
    %get3A_12 = arith.constant 0 : index
    %get3A_13 = arith.constant 0 : index
    %get3A_14 = vector.load %arg3[%get3A_12, %get3A_13] : memref<128x128xf32, #tpu.memory_space<vmem>>, vector<128x128xf32>
    %dot_general3A_15 = arith.constant dense<0.000000e+00> : vector<4096x128xf32>
    %dot_general3A_16 = tpu.matmul %max3A_11, %get3A_14, %dot_general3A_15 {dimension_numbers = #tpu.dot_dimension_numbers<[1], [0], [0], [1], [0, 0, 1, 1], [], []>, transpose_lhs_hint = false} : vector<4096x128xf32>, vector<128x128xf32>, vector<4096x128xf32> -> vector<4096x128xf32>
    %get3A_17 = arith.constant 0 : index
    %get3A_18 = arith.constant 0 : index
    %get3A_19 = vector.load %arg4[%get3A_17, %get3A_18] : memref<1x128xf32, #tpu.memory_space<vmem>>, vector<1x128xf32>
    %add3A_20 = vector.broadcast %get3A_19 : vector<1x128xf32> to vector<4096x128xf32>
    %add3A_21 = arith.addf %dot_general3A_16, %add3A_20 : vector<4096x128xf32>
    %max3A_22 = arith.constant 0.000000e+00 : f32
    %max3A_23 = vector.broadcast %max3A_22 : f32 to vector<4096x128xf32>
    %max3A_24 = arith.maximumf %add3A_21, %max3A_23 : vector<4096x128xf32>
    %get3A_25 = arith.constant 0 : index
    %get3A_26 = arith.constant 0 : index
    %get3A_27 = vector.load %arg5[%get3A_25, %get3A_26] : memref<128x128xf32, #tpu.memory_space<vmem>>, vector<128x128xf32>
    %dot_general3A_28 = arith.constant dense<0.000000e+00> : vector<4096x128xf32>
    %dot_general3A_29 = tpu.matmul %max3A_24, %get3A_27, %dot_general3A_28 {dimension_numbers = #tpu.dot_dimension_numbers<[1], [0], [0], [1], [0, 0, 1, 1], [], []>, transpose_lhs_hint = false} : vector<4096x128xf32>, vector<128x128xf32>, vector<4096x128xf32> -> vector<4096x128xf32>
    %get3A_30 = arith.constant 0 : index
    %get3A_31 = arith.constant 0 : index
    %get3A_32 = vector.load %arg6[%get3A_30, %get3A_31] : memref<1x128xf32, #tpu.memory_space<vmem>>, vector<1x128xf32>
    %add3A_33 = vector.broadcast %get3A_32 : vector<1x128xf32> to vector<4096x128xf32>
    %add3A_34 = arith.addf %dot_general3A_29, %add3A_33 : vector<4096x128xf32>
    %reduce_max3A = arith.constant dense<0xFF800000> : vector<4096xf32>
    %reduce_max3A_35 = vector.multi_reduction <maximumf>, %add3A_34, %reduce_max3A [1] : vector<4096x128xf32> to vector<4096xf32>
    %broadcast_in_dim3A = vector.shape_cast %reduce_max3A_35 : vector<4096xf32> to vector<4096x1xf32>
    %sub3A = vector.broadcast %broadcast_in_dim3A : vector<4096x1xf32> to vector<4096x128xf32>
    %sub3A_36 = arith.subf %add3A_34, %sub3A : vector<4096x128xf32>
    %exp3A = math.exp %sub3A_36 : vector<4096x128xf32>
    %reduce_sum3A = arith.constant dense<0.000000e+00> : vector<4096xf32>
    %reduce_sum3A_37 = vector.multi_reduction <add>, %exp3A, %reduce_sum3A [1] : vector<4096x128xf32> to vector<4096xf32>
    %broadcast_in_dim3A_38 = vector.shape_cast %reduce_sum3A_37 : vector<4096xf32> to vector<4096x1xf32>
    %div3A = vector.broadcast %broadcast_in_dim3A_38 : vector<4096x1xf32> to vector<4096x128xf32>
    %div3A_39 = arith.divf %exp3A, %div3A : vector<4096x128xf32>
    %swap3A = arith.constant 0 : index
    %swap3A_40 = arith.constant 0 : index
    %swap3A_41 = vector.load %arg7[%swap3A, %swap3A_40] : memref<4096x128xf32, #tpu.memory_space<vmem>>, vector<4096x128xf32>
    tpu.vector_store %arg7[%swap3A, %swap3A_40], %div3A_39 {strides = array<i32>} : memref<4096x128xf32, #tpu.memory_space<vmem>>, vector<4096x128xf32>,
    return
  }
}

</mosaic_0001>

<sc_bundles>
// kernel: kernel.5.cloned.1.call-start
scs
__scs_entry_jumppad:
0x0: {  	(pc) =	sbr.rel $0x88, $3  }
0x1: {  	(tag) =	ssettag $0x0;
	lr =	simm.s32 $0x1  }
0x2: {  	[smem:$0x3F99] =	sst lr;
	_ =	strace $0xD0000000  }
0x3: {  	_ = 	snop  }
0x4: {  	_ = 	snop  }
0x5: {  	_ = 	snop  }
0x6: {  	_ = 	snop  }
0x7: {  	_ = 	snop  }
__scs_overlays_trampoline_lowered:
0x8: {  	[smem:$0x3FA8] =	sst s0  }
0x9: {  	[smem:$0x3FA9] =	sst s1  }
0xa: {  	[smem:$0x3FAA] =	sst s2  }
0xb: {  	[smem:$0x3FAB] =	sst s3  }
0xc: {  	[smem:$0x3FAC] =	sst s4  }
0xd: {  	[smem:$0x3FAD] =	sst s5  }
0xe: {  	[smem:$0x3FAE] =	sst s6  }
0xf: {  	[smem:$0x3FAF] =	sst s7  }
0x10: {  	[smem:$0x3FB0] =	sst s8  }
0x11: {  	[smem:$0x3FB1] =	sst s9;
	s0 =	simm.s32 @!p0 $0x0  }
0x12: {  	s1 =	sld [smem:$0x3F97];
	s0 =	simm.s32 @p0 $0x1  }
0x13: {  	[smem:$0x3FB2] =	sst s0;
	s0 =	simm.s32 @!p1 $0x0  }
0x14: {  	s2 =	sld [smem:$0x3F96];
	s0 =	simm.s32 @p1 $0x1  }
0x15: {  	[smem:$0x3FB3] =	sst s0;
	s0 =	simm.s32 @!p2 $0x0  }
0x16: {  	s3 =	sld [smem:$0x3FDB];
	s0 =	simm.s32 @p2 $0x1  }
0x17: {  	s4 =	simm.s32 $0x1BF5;
	[smem:$0x3FB5] =	sst s0  }
0x18: {  	s0 =	sld [smem:$0x3F98];
	_ =	swait.ge [sflag:s4], $0x0  }
0x19: {  	s7 =	sld [smem:$0x3F99]  }
0x1a: {  	s8 =	sadd.s32 $0xFFFFE003, lr  }
0x1b: {  	s9 =	sadd.s32 $0xFFFFFEF7, lr;
	s5 =	simm.s32 $0xFFFFFFFF;
	p2 =	slt.u32 s8, $0xFFFFF086  }
0x1c: {  	p1 =	slt.u32 s9, $0xF7A;
	s5 =	simm.s32 @!p2 $0x0  }
0x1d: {  	s5 =	simm.s32 @p1 $0x1;
	p0 =	seq.s32 s7, s2  }
0x1e: {  	s7 =	smul.u32 @!p0 $0xF7A, s2;
	p2 =	seq.s32 @!p0 s5, $0x0  }
0x1f: {  	s9 =	smul.u32 $0xF7A, s1;
	s8 =	simm.s32 @!p0 $0x1BF5;
	p2 =	por !p2, p0  }
0x20: {  	[sflag:s8] =	ssyncset.s32 @!p0 $0xFFFFF086;
	s6 =	sadd.s32 @!p0 s3, s7;
	s7 =	simm.s32 @!p0 $0x108  }
0x21: {  	s3 =	sadd.s32 s3, s9;
	s6 =	sadd.s32 @!p0 $0x88, s6;
	s7 =	simm.s32 @p2 $0x1082  }
0x22: {  	[simem:s7], [sflag:s8] =	dma.local @!p0 [hbm:s6], $0xF7A  }
0x23: {  	s9 =	sor.u32 $0xD0000000, s2;
	s6 =	simm.s32 $0x108;
	_ =	swait.ge @!p0 [sflag:s8], $0x0  }
0x24: {  	s3 =	sadd.s32 $0x88, s3;
	s6 =	simm.s32 @!p1 $0x1082;
	[sflag:s4] =	ssyncset.s32 $0xFFFFF086  }
0x25: {  	[simem:s6], [sflag:s4] =	dma.local [hbm:s3], $0xF7A  }
0x26: {  	[smem:$0x3F99] =	sst s1;
	(tag) =	ssettag s2;
	_ =	strace s9  }
0x27: {  	s1 =	sld [smem:$0x3FA9]  }
0x28: {  	s2 =	sld [smem:$0x3FAA]  }
0x29: {  	s4 =	sld [smem:$0x3FAC]  }
0x2a: {  	p0 =	seq.s32 s5, $0x0;
	s5 =	sld [smem:$0x3FAD]  }
0x2b: {  	s6 =	sld [smem:$0x3FAE]  }
0x2c: {  	s7 =	sld [smem:$0x3FAF]  }
0x2d: {  	s3 =	simm.s32 $0x108;
	s8 =	sld [smem:$0x3FB0]  }
0x2e: {  	s3 =	simm.s32 @!p0 $0x1082;
	s9 =	sld [smem:$0x3FB1]  }
0x2f: {  	lr =	sadd.s32 s0, s3;
	s0 =	sld [smem:$0x3FA8]  }
0x30: {  	s3 =	sld [smem:$0x3FAB]  }
0x31: {  	[smem:$0x3FB4] =	sst s10  }
0x32: {  	s10 =	sld [smem:$0x3FB2];
	_ =	sdelay $0x3  }
0x33: {  	p0 =	seq.s32 s10, $0x1;
	s10 =	sld [smem:$0x3FB4];
	_ =	sdelay $0x3  }
0x34: {  	[smem:$0x3FB4] =	sst s10  }
0x35: {  	s10 =	sld [smem:$0x3FB3];
	_ =	sdelay $0x3  }
0x36: {  	p1 =	seq.s32 s10, $0x1;
	s10 =	sld [smem:$0x3FB4];
	_ =	sdelay $0x3  }
0x37: {  	[smem:$0x3FB4] =	sst s10  }
0x38: {  	s10 =	sld [smem:$0x3FB5]  }
0x39: {  	_ = 	snop;
	(pc) =	sbr.ind lr, $3  }
0x3a: {  	_ = 	snop  }
0x3b: {  	_ = 	snop  }
0x3c: {  	p2 =	seq.s32 s10, $0x1;
	s10 =	sld [smem:$0x3FB4]  }
0x3d: {  	_ =	shalt  }
0x3e: {  	_ =	shalt  }
0x3f: {  	_ =	shalt  }
0x40: {  	_ =	shalt  }
0x41: {  	_ =	shalt  }
0x42: {  	_ =	shalt  }
0x43: {  	_ =	shalt  }
0x44: {  	_ =	shalt  }
0x45: {  	_ =	shalt  }
0x46: {  	_ =	shalt  }
0x47: {  	_ =	shalt  }
0x48: {  	_ =	shalt  }
0x49: {  	_ =	shalt  }
0x4a: {  	_ =	shalt  }
0x4b: {  	_ =	shalt  }
0x4c: {  	_ =	shalt  }
0x4d: {  	_ =	shalt  }
0x4e: {  	_ =	shalt  }
0x4f: {  	_ =	shalt  }
0x50: {  	_ =	shalt  }
0x51: {  	_ =	shalt  }
0x52: {  	_ =	shalt  }
0x53: {  	_ =	shalt  }
0x54: {  	_ =	shalt  }
0x55: {  	_ =	shalt  }
0x56: {  	_ =	shalt  }
0x57: {  	_ =	shalt  }
0x58: {  	_ =	shalt  }
0x59: {  	_ =	shalt  }
0x5a: {  	_ =	shalt  }
0x5b: {  	_ =	shalt  }
0x5c: {  	_ =	shalt  }
0x5d: {  	_ =	shalt  }
0x5e: {  	_ =	shalt  }
0x5f: {  	_ =	shalt  }
0x60: {  	_ =	shalt  }
0x61: {  	_ =	shalt  }
0x62: {  	_ =	shalt  }
0x63: {  	_ =	shalt  }
0x64: {  	_ =	shalt  }
0x65: {  	_ =	shalt  }
0x66: {  	_ =	shalt  }
0x67: {  	_ =	shalt  }
0x68: {  	_ =	shalt  }
0x69: {  	_ =	shalt  }
0x6a: {  	_ =	shalt  }
0x6b: {  	_ =	shalt  }
0x6c: {  	_ =	shalt  }
0x6d: {  	_ =	shalt  }
0x6e: {  	_ =	shalt  }
0x6f: {  	_ =	shalt  }
0x70: {  	_ =	shalt  }
0x71: {  	_ =	shalt  }
0x72: {  	_ =	shalt  }
0x73: {  	_ =	shalt  }
0x74: {  	_ =	shalt  }
0x75: {  	_ =	shalt  }
0x76: {  	_ =	shalt  }
0x77: {  	_ =	shalt  }
0x78: {  	_ =	shalt  }
0x79: {  	_ =	shalt  }
0x7a: {  	_ =	shalt  }
0x7b: {  	_ =	shalt  }
0x7c: {  	_ =	shalt  }
0x7d: {  	_ =	shalt  }
0x7e: {  	_ =	shalt  }
0x7f: {  	_ =	shalt  }
0x80: {  	_ =	shalt  }
0x81: {  	_ =	shalt  }
0x82: {  	_ =	shalt  }
0x83: {  	_ =	shalt  }
0x84: {  	_ =	shalt  }
0x85: {  	_ =	shalt  }
0x86: {  	_ =	shalt  }
0x87: {  	_ =	shalt  }
.Lfunc_end0:
.L_simem_size_0:
called_computation_lowered:
.L_overlay_start_0:
0x88: {  	s2 =	sld [smem:$0x3FD9]  }
0x89: {  	s3 =	sld [smem:$0x3FFE];
	_ =	sdelay $0x1  }
0x8a: {  	s1 =	srdreg.scid  }
0x8b: {  	s0 =	sand.u32 $0x1, s1  }
0x8c: {  	s16 =	sshll.u32 s0, $0xA;
	s2 =	sadd.s32 s3, s2  }
0x8d: {  	s2 =	sadd.s32 s2, s16  }
0x8e: {  	[smem:$0x3FC0] =	sst s2  }
0x8f: {  	_ = 	snop  }
0x90: {  	(tm) =	ssettm $0x1  }
0x91: {  	s17 =	sld [smem:$0x3FFB];
	_ =	sdelay $0x3  }
0x92: {  	_ =	strace s17  }
0x93: {  	s2 =	sld [smem:$0x3FFC];
	_ =	sdelay $0x3  }
0x94: {  	_ =	strace s2  }
0x95: {  	s2 =	sld [smem:$0x3FFD];
	_ =	sdelay $0x3  }
0x96: {  	_ =	strace s2  }
0x97: {  	_ =	strace $0x8FFFFFFF  }
0x98: {  	s18 =	sld [smem:$0x3FDB];
	_ =	sdelay $0x1  }
0x99: {  	s19 =	simm.s32 $_scs_section_size  }
0x9a: {  	s4 =	simm.s32 $_size__tile_overlayer_lowered;
	s5 =	simm.s32 $_tile_overlayer_lowered  }
0x9b: {  	s22 =	simm.s32 $0x1BFF;
	s21 =	sshll.u32 s5, $0x1;
	s2 =	sadd.s32 s19, s18  }
0x9c: {  	s6 =	simm.s32 $0x0;
	s20 =	sshll.u32 s4, $0x1;
	s4 =	sadd.s32 s21, s2  }
0x9d: {  	[timem:s6], [sflag:s22] =	dma.local [hbm:s4], s20  }
0x9e: {  	_ =	swait.ge [sflag:s22], s20  }
0x9f: {  	s3 =	ssub.s32 $0x0, s20;
	[sflag:s22] =	ssyncset.done $0x0  }
0xa0: {  	[sflag:s22] =	ssyncadd.s32 s3;
	_ =	sdelay $0x1  }
0xa1: {  	s23 =	simm.s32 $0x1B8B  }
0xa2: {  	_ =	swait.ge [sflag:s23], $0x1  }
0xa3: {  	[sflag:s23] =	ssyncset.done $0x0  }
0xa4: {  	s25 =	simm.s32 $0x1B8E;
	s24 =	sld [smem:$0x3FFE];
	[sflag:s23] =	ssyncadd.s32 $0xFFFFFFFF  }
0xa5: {  	s26 =	simm.s32 $execute0_lowered;
	[smem:$0x3FD2] =	sst s25  }
0xa6: {  	s4 =	sshll.u32 s26, $0x1;
	_ =	strace $0x80000046;
	[dreg:$0x1] =	wrdreg $0xFFFFFFFF  }
0xa7: {  	s28 =	simm.s32 $_size_execute0_lowered;
	s2 =	sadd.s32 s2, s4;
	[dreg:$0x0] =	wrdreg $0x0  }
0xa8: {  	s4 =	sshll.u32 s28, $0x1;
	[dreg:$0x2] =	wrdreg s2  }
0xa9: {  	[dreg:$0x3] =	wrdreg s4  }
0xaa: {  	[dreg:$0x4] =	wrdreg $0xC0  }
0xab: {  	_ =	task [dreg:s6], $0x5FFFF  }
0xac: {  	[dreg:$0x1] =	wrdreg $0xFFFFFFFF  }
0xad: {  	[dreg:$0x0] =	wrdreg $0x60  }
0xae: {  	[dreg:$0x2] =	wrdreg s24  }
0xaf: {  	[dreg:$0x3] =	wrdreg $0x9  }
0xb0: {  	_ =	task.clear_ibuf [dreg:s6], $0x4FFFF;
	_ =	strace $0x90000046  }
0xb1: {  	s29 =	simm.s32 $0x9;
	_ =	strace $0x80000048  }
0xb2: {  	_ =	swait.ge [sflag:s29], $0x1  }
0xb3: {  	[sflag:s29] =	ssyncadd.s32 $0xFFFFFFFF  }
0xb4: {  	_ =	strace $0x90000048  }
0xb5: {  	_ =	sfence  }
0xb6: {  	s30 =	sld [smem:$0x0];
	_ =	sdelay $0x2  }
0xb7: {  	s31 =	sshll.u32 s1, $0xD;
	s1 =	sshrl.u32 s1, $0x2  }
0xb8: {  	s3 =	sand.u32 $0x4000, s31;
	s1 =	sadd.s32 s1, s30  }
0xb9: {  	s0 =	sor.u32 s3, s0;
	s1 =	sshll.u32 s1, $0x11  }
0xba: {  	s0 =	sor.u32 s1, s0  }
0xbb: {  	s0 =	sadd.s32 $0x8F2B, s0  }
0xbc: {  	[sflag:s0] =	ssyncadd.remote.s32 $0x1  }
0xbd: {  	_ =	sfence.sel $0xFFFF  }
0xbe: {  	[dreg:$0x0] =	wrdreg $0xFFFFFFFF;
	(pc) =	sbr.abs _section_cstart, $3  }
0xbf: {  	[dreg:$0x1] =	wrdreg $0xFFFFFFFF  }
0xc0: {  	_ =	task.clear_ibuf [dreg:s6], $0x2FFFF;
	_ =	strace $0x9FFFFFFF  }
0xc1: {  	(tm) =	ssettm $0x7FFFFFFF  }
tec
execute0_lowered:
.L_overlay_start_1:
0x0: {  	(tag) =	ssettag $0x1  }
0x1: {  	s1 =	srdreg.scid;
	s0 =	stileid.u32  }
0x2: {  	s4 =	rddreg [dreg:$0x0];
	s2 =	simm.s32 $0x0;
	s8 =	simm.s32 $0x80  }
0x3: {  	s9 =	simm.s32 $0x6400;
	s10 =	simm.s32 $0x48;
	s11 =	simm.s32 $0x7400  }
0x4: {  	s12 =	simm.s32 $0x7D00;
	s13 =	simm.s32 $0x8D00;
	s14 =	simm.s32 $0x1  }
0x5: {  	s15 =	simm.s32 $0x2;
	s16 =	simm.s32 $0x9600;
	s17 =	simm.s32 $0x0  }
0x6: {  	s3 =	sand.u32 $0x1, s1;
	s5 =	sshll.u32 s0, $0x1;
	[smem:$0x7FF] =	sst s2  }
0x7: {  	s1 =	rddreg [dreg:$0x1];
	s5 =	sor.u32 s3, s5;
	_ =	strace $0x80000047  }
0x8: {  	s7 =	ssub.s32 $0x2, s3;
	s6 =	smul.u32 $0xC80, s5;
	s5 =	sshll.u32 s5, $0xA  }
0x9: {  	s3 =	sadd.s32 $0x19800, s4;
	s31 =	sshrl.u32 s7, $0x1;
	s5 =	sadd.s32 s5, s4  }
0xa: {  	s7 =	ssub.s32 s7, s31;
	s6 =	sadd.s32 s6, s4;
	s5 =	sadd.s32 $0x3F9800, s5  }
0xb: {  	v0 =	vimm.s32 $0x0;
	s4 =	sadd.s32 $0x800, s6;
	s6 =	smax.u32 s7, $0x1;
	s7 =	simm.s32 $0x3  }
.LBB2_1:
0xc: {  	[tilespmem:s2], [sflag:$0x3] =	stream.linear.gather [hbm4b:s4+s2], $0x6400, $0x38;
	[tilespmem:$0xB600] =	vst v63  }
0xd: {  	_ =	swait.ge [sflag:s7], $0x6400  }
0xe: {  	[sflag:s7] =	ssyncset.done $0x0  }
0xf: {  	s18 =	simm.s32 $0x40;
	[sflag:s7] =	ssyncadd.s32 $0xFFFF9C00  }
0x10: {  	v1 =	vld [tilespmem:s18+$0xFFFFFFC0]  }
0x11: {  	v10 =	vld [tilespmem:s18+$0x0]  }
0x12: {  	v2 =	vld [tilespmem:s18+$0xFFFFFFD0]  }
0x13: {  	v4 =	vld [tilespmem:s18+$0xFFFFFFE0];
	_ =	sdelay $0x1  }
0x14: {  	vm0 =	vgt.s32 v1, $0x3DFFF  }
0x15: {  	vm1 =	vgt.s32 v1, $0x7BFFF;
	vm2 =	vgt.s32 v1, $0xB9FFF;
	vm3 =	vgt.s32 v10, $0xB9FFF  }
0x16: {  	v3 =	vsel vm0, $0x1, v0;
	v6 =	vsel vm1, $0x1, v0;
	v7 =	vsel vm2, $0x1, v0  }
0x17: {  	vm0 =	vgt.s32 v2, $0x3DFFF;
	vm1 =	vgt.s32 v2, $0x7BFFF;
	vm2 =	vgt.s32 v4, $0x7BFFF  }
0x18: {  	v5 =	vld [tilespmem:s18+$0xFFFFFFF0];
	v3 =	vadd.s32 v6, v3;
	v6 =	vsel vm0, $0x1, v0;
	v8 =	vsel vm1, $0x1, v0  }
0x19: {  	vm0 =	vgt.s32 v2, $0xB9FFF;
	vm1 =	vgt.s32 v4, $0x3DFFF;
	v9 =	vsel vm2, $0x1, v0  }
0x1a: {  	v3 =	vadd.s32 v7, v3;
	v6 =	vadd.s32 v8, v6;
	v7 =	vsel vm0, $0x1, v0  }
0x1b: {  	vm2 =	vgt.s32 v10, $0x3DFFF;
	v8 =	vmul.u32 $0x3FFC2000, v3;
	v6 =	vadd.s32 v7, v6  }
0x1c: {  	v7 =	vsel vm1, $0x1, v0;
	vm1 =	vgt.s32 v4, $0xB9FFF;
	v11 =	vmul.u32 $0x3FFC2000, v6  }
0x1d: {  	vm0 =	vgt.s32 v5, $0x3DFFF;
	v7 =	vadd.s32 v9, v7;
	v9 =	vsel vm1, $0x1, v0  }
0x1e: {  	v1 =	vadd.s32 v1, v8;
	v8 =	vld [tilespmem:s18+$0x10];
	v7 =	vadd.s32 v9, v7;
	v2 =	vadd.s32 v2, v11  }
0x1f: {  	v1 =	vshll.u32 v1, $0x2;
	v9 =	vmul.u32 $0x3FFC2000, v7;
	v2 =	vshll.u32 v2, $0x2  }
0x20: {  	v1 =	vadd.s32 v3, v1;
	v3 =	vsel vm2, $0x1, v0;
	vm2 =	vgt.s32 v10, $0x7BFFF  }
0x21: {  	v12 =	vld [tilespmem:s18+$0x20];
	vm1 =	vgt.s32 v5, $0x7BFFF;
	v2 =	vadd.s32 v6, v2;
	v11 =	vsel vm2, $0x1, v0  }
0x22: {  	v6 =	vsel vm3, $0x1, v0;
	v4 =	vadd.s32 v4, v9;
	v3 =	vadd.s32 v11, v3  }
0x23: {  	v4 =	vshll.u32 v4, $0x2;
	vm2 =	vgt.s32 v8, $0x3DFFF;
	vm3 =	vgt.s32 v8, $0x7BFFF  }
0x24: {  	v11 =	vld [tilespmem:s18+$0x30];
	v3 =	vadd.s32 v6, v3;
	v4 =	vadd.s32 v7, v4;
	v9 =	vsel vm2, $0x1, v0  }
0x25: {  	v13 =	vsel vm3, $0x1, v0;
	vm2 =	vgt.s32 v8, $0xB9FFF;
	v7 =	vmul.u32 $0x3FFC2000, v3  }
0x26: {  	vm3 =	vgt.s32 v12, $0x7BFFF;
	v9 =	vadd.s32 v13, v9;
	v13 =	vsel vm2, $0x1, v0  }
0x27: {  	vm2 =	vgt.s32 v12, $0x3DFFF;
	v14 =	vsel vm3, $0x1, v0;
	v6 =	vadd.s32 v13, v9  }
0x28: {  	v13 =	vsel vm2, $0x1, v0;
	vm2 =	vgt.s32 v12, $0xB9FFF;
	v7 =	vadd.s32 v10, v7  }
0x29: {  	v9 =	vmul.u32 $0x3FFC2000, v6;
	v15 =	vsel vm2, $0x1, v0;
	vm2 =	vgt.s32 v11, $0x3DFFF  }
0x2a: {  	vm3 =	vgt.s32 v11, $0x7BFFF;
	v13 =	vadd.s32 v14, v13;
	v14 =	vsel vm2, $0x1, v0  }
0x2b: {  	[tilespmem:s18+$0xFFFFFFC0] =	vst v1;
	v16 =	vsel vm3, $0x1, v0;
	vm2 =	vgt.s32 v11, $0xB9FFF;
	v13 =	vadd.s32 v15, v13  }
0x2c: {  	[tilespmem:s18+$0xFFFFFFD0] =	vst v2;
	v14 =	vadd.s32 v16, v14;
	v1 =	vsel vm2, $0x1, v0;
	v10 =	vmul.u32 $0x3FFC2000, v13  }
0x2d: {  	s19 =	simm.s32 $0xC0;
	[tilespmem:s18+$0xFFFFFFE0] =	vst v4;
	v2 =	vadd.s32 v1, v14;
	v1 =	vshll.u32 v7, $0x2;
	v7 =	vadd.s32 v8, v9  }
0x2e: {  	v4 =	vmul.u32 $0x3FFC2000, v2;
	v1 =	vadd.s32 v3, v1;
	v3 =	vshll.u32 v7, $0x2;
	v7 =	vld [tilespmem:s19+$0xFFFFFFC0]  }
0x2f: {  	v8 =	vsel vm0, $0x1, v0;
	vm0 =	vgt.s32 v5, $0xB9FFF;
	v9 =	vadd.s32 v12, v10;
	[tilespmem:s18+$0x0] =	vst v1  }
0x30: {  	v3 =	vadd.s32 v6, v3;
	v1 =	vshll.u32 v9, $0x2;
	v4 =	vadd.s32 v11, v4;
	v9 =	vld [tilespmem:s19+$0xFFFFFFD0]  }
0x31: {  	v6 =	vsel vm1, $0x1, v0;
	v10 =	vadd.s32 v13, v1;
	v1 =	vld [tilespmem:s19+$0xFFFFFFF0];
	[tilespmem:s18+$0x10] =	vst v3;
	v4 =	vshll.u32 v4, $0x2  }
0x32: {  	v6 =	vadd.s32 v6, v8;
	v12 =	vld [tilespmem:s19+$0xFFFFFFE0];
	v4 =	vadd.s32 v2, v4;
	v2 =	vsel vm0, $0x1, v0  }
0x33: {  	vm0 =	vgt.s32 v7, $0x3DFFF;
	vm1 =	vgt.s32 v7, $0x7BFFF;
	vm2 =	vgt.s32 v7, $0xB9FFF  }
0x34: {  	v2 =	vadd.s32 v2, v6;
	v3 =	vsel vm0, $0x1, v0;
	v8 =	vsel vm1, $0x1, v0  }
0x35: {  	v11 =	vsel vm2, $0x1, v0;
	vm0 =	vgt.s32 v9, $0x3DFFF;
	vm1 =	vgt.s32 v9, $0x7BFFF  }
0x36: {  	v3 =	vadd.s32 v8, v3;
	v8 =	vsel vm0, $0x1, v0;
	v13 =	vsel vm1, $0x1, v0  }
0x37: {  	[tilespmem:s18+$0x20] =	vst v10;
	vm0 =	vgt.s32 v9, $0xB9FFF;
	v3 =	vadd.s32 v11, v3;
	vm1 =	vgt.s32 v12, $0x7BFFF  }
0x38: {  	[tilespmem:s18+$0x30] =	vst v4;
	v8 =	vadd.s32 v13, v8;
	v11 =	vsel vm0, $0x1, v0;
	vm0 =	vgt.s32 v12, $0x3DFFF  }
0x39: {  	v6 =	vmul.u32 $0x3FFC2000, v3;
	v13 =	vld [tilespmem:s19+$0x0];
	v8 =	vadd.s32 v11, v8;
	v10 =	vsel vm0, $0x1, v0  }
0x3a: {  	v11 =	vsel vm1, $0x1, v0;
	vm1 =	vgt.s32 v12, $0xB9FFF;
	v4 =	vmul.u32 $0x3FFC2000, v8  }
0x3b: {  	v10 =	vadd.s32 v11, v10;
	v11 =	vsel vm1, $0x1, v0;
	v6 =	vadd.s32 v7, v6  }
0x3c: {  	v7 =	vadd.s32 v11, v10;
	v6 =	vshll.u32 v6, $0x2;
	v4 =	vadd.s32 v9, v4;
	v9 =	vld [tilespmem:s19+$0x10]  }
0x3d: {  	v10 =	vmul.u32 $0x3FFC2000, v7;
	v3 =	vadd.s32 v3, v6;
	v4 =	vshll.u32 v4, $0x2  }
0x3e: {  	vm2 =	vgt.s32 v13, $0x3DFFF;
	vm3 =	vgt.s32 v13, $0xB9FFF;
	v4 =	vadd.s32 v8, v4  }
0x3f: {  	v11 =	vld [tilespmem:s19+$0x20];
	v6 =	vadd.s32 v12, v10;
	v8 =	vsel vm2, $0x1, v0;
	vm2 =	vgt.s32 v13, $0x7BFFF  }
0x40: {  	v10 =	vsel vm3, $0x1, v0;
	v12 =	vsel vm2, $0x1, v0;
	v6 =	vshll.u32 v6, $0x2  }
0x41: {  	v8 =	vadd.s32 v12, v8;
	v6 =	vadd.s32 v7, v6;
	vm2 =	vgt.s32 v9, $0x3DFFF  }
0x42: {  	vm3 =	vgt.s32 v9, $0x7BFFF;
	v8 =	vadd.s32 v10, v8;
	v14 =	vsel vm2, $0x1, v0  }
0x43: {  	v15 =	vsel vm3, $0x1, v0;
	vm2 =	vgt.s32 v9, $0xB9FFF;
	v7 =	vmul.u32 $0x3FFC2000, v8  }
0x44: {  	vm3 =	vgt.s32 v11, $0x7BFFF;
	v12 =	vadd.s32 v15, v14;
	v14 =	vsel vm2, $0x1, v0  }
0x45: {  	v15 =	vld [tilespmem:s19+$0x30];
	vm2 =	vgt.s32 v11, $0x3DFFF;
	v16 =	vsel vm3, $0x1, v0;
	v10 =	vadd.s32 v14, v12  }
0x46: {  	[tilespmem:s19+$0xFFFFFFC0] =	vst v3;
	v12 =	vsel vm2, $0x1, v0;
	vm2 =	vgt.s32 v11, $0xB9FFF;
	v3 =	vadd.s32 v13, v7  }
0x47: {  	v14 =	vmul.u32 $0x3FFC2000, v10;
	v17 =	vsel vm2, $0x1, v0;
	v12 =	vadd.s32 v16, v12  }
0x48: {  	vm0 =	vgt.s32 v1, $0x3DFFF;
	v3 =	vshll.u32 v3, $0x2;
	v12 =	vadd.s32 v17, v12  }
0x49: {  	[tilespmem:s19+$0xFFFFFFD0] =	vst v4;
	v3 =	vadd.s32 v8, v3;
	v7 =	vmul.u32 $0x3FFC2000, v12;
	v4 =	vadd.s32 v9, v14  }
0x4a: {  	vm2 =	vgt.s32 v15, $0x3DFFF;
	vm3 =	vgt.s32 v15, $0x7BFFF;
	v4 =	vshll.u32 v4, $0x2  }
0x4b: {  	s20 =	simm.s32 $0x140;
	[tilespmem:s19+$0xFFFFFFE0] =	vst v6;
	v16 =	vsel vm2, $0x1, v0;
	v18 =	vsel vm3, $0x1, v0;
	vm2 =	vgt.s32 v15, $0xB9FFF  }
0x4c: {  	v6 =	vadd.s32 v11, v7;
	v7 =	vld [tilespmem:s20+$0xFFFFFFC0];
	v16 =	vadd.s32 v18, v16;
	v17 =	vsel vm2, $0x1, v0  }
0x4d: {  	[tilespmem:s19+$0x0] =	vst v3;
	v4 =	vadd.s32 v10, v4;
	v3 =	vshll.u32 v6, $0x2;
	v13 =	vadd.s32 v17, v16  }
0x4e: {  	v10 =	vadd.s32 v12, v3;
	v12 =	vmul.u32 $0x3FFC2000, v2;
	v9 =	vmul.u32 $0x3FFC2000, v13  }
0x4f: {  	vm1 =	vgt.s32 v1, $0x7BFFF;
	v8 =	vsel vm0, $0x1, v0;
	vm0 =	vgt.s32 v1, $0xB9FFF;
	v11 =	vld [tilespmem:s20+$0xFFFFFFD0]  }
0x50: {  	v12 =	vadd.s32 v5, v12;
	v6 =	vadd.s32 v15, v9;
	v9 =	vsel vm1, $0x1, v0  }
0x51: {  	vm1 =	vgt.s32 v7, $0x7BFFF;
	vm2 =	vgt.s32 v7, $0xB9FFF;
	v6 =	vshll.u32 v6, $0x2  }
0x52: {  	v3 =	vld [tilespmem:s20+$0xFFFFFFF0];
	[tilespmem:s19+$0x10] =	vst v4;
	v8 =	vadd.s32 v9, v8;
	v9 =	vsel vm0, $0x1, v0;
	vm0 =	vgt.s32 v7, $0x3DFFF  }
0x53: {  	v15 =	vld [tilespmem:s20+$0xFFFFFFE0];
	v14 =	vsel vm2, $0x1, v0;
	v6 =	vadd.s32 v13, v6;
	v4 =	vsel vm0, $0x1, v0  }
0x54: {  	v13 =	vsel vm1, $0x1, v0;
	vm0 =	vgt.s32 v11, $0x3DFFF;
	vm1 =	vgt.s32 v11, $0x7BFFF  }
0x55: {  	v4 =	vadd.s32 v13, v4;
	v13 =	vsel vm0, $0x1, v0;
	v16 =	vsel vm1, $0x1, v0  }
0x56: {  	vm0 =	vgt.s32 v11, $0xB9FFF;
	v14 =	vadd.s32 v14, v4;
	v13 =	vadd.s32 v16, v13  }
0x57: {  	[tilespmem:s19+$0x20] =	vst v10;
	v16 =	vsel vm0, $0x1, v0;
	v4 =	vadd.s32 v9, v8;
	v8 =	vmul.u32 $0x3FFC2000, v14  }
0x58: {  	[tilespmem:s19+$0x30] =	vst v6;
	v9 =	vadd.s32 v16, v13;
	vm0 =	vgt.s32 v15, $0x3DFFF;
	vm1 =	vgt.s32 v15, $0x7BFFF  }
0x59: {  	v16 =	vld [tilespmem:s20+$0x0];
	v6 =	vmul.u32 $0x3FFC2000, v9;
	v10 =	vsel vm0, $0x1, v0;
	v13 =	vsel vm1, $0x1, v0  }
0x5a: {  	vm0 =	vgt.s32 v15, $0xB9FFF;
	vm1 =	vgt.s32 v3, $0x3DFFF;
	v10 =	vadd.s32 v13, v10  }
0x5b: {  	v13 =	vsel vm0, $0x1, v0;
	v7 =	vadd.s32 v7, v8;
	v6 =	vadd.s32 v11, v6  }
0x5c: {  	v8 =	vadd.s32 v13, v10;
	v10 =	vld [tilespmem:s20+$0x10];
	v7 =	vshll.u32 v7, $0x2;
	v6 =	vshll.u32 v6, $0x2  }
0x5d: {  	v11 =	vmul.u32 $0x3FFC2000, v8;
	v7 =	vadd.s32 v14, v7;
	v6 =	vadd.s32 v9, v6  }
0x5e: {  	v9 =	vsel vm1, $0x1, v0;
	vm1 =	vgt.s32 v16, $0x3DFFF;
	vm2 =	vgt.s32 v16, $0xB9FFF  }
0x5f: {  	v11 =	vadd.s32 v15, v11;
	v13 =	vsel vm1, $0x1, v0;
	vm1 =	vgt.s32 v16, $0x7BFFF  }
0x60: {  	v14 =	vsel vm2, $0x1, v0;
	v15 =	vld [tilespmem:s20+$0x20];
	v17 =	vsel vm1, $0x1, v0;
	v11 =	vshll.u32 v11, $0x2  }
0x61: {  	vm2 =	vgt.s32 v10, $0x3DFFF;
	vm3 =	vgt.s32 v10, $0x7BFFF;
	vm1 =	vgt.s32 v10, $0xB9FFF  }
0x62: {  	v13 =	vadd.s32 v17, v13;
	v18 =	vsel vm2, $0x1, v0;
	v19 =	vsel vm3, $0x1, v0  }
0x63: {  	v13 =	vadd.s32 v14, v13;
	v17 =	vadd.s32 v19, v18;
	v19 =	vsel vm1, $0x1, v0  }
0x64: {  	v8 =	vadd.s32 v8, v11;
	v18 =	vld [tilespmem:s20+$0x30];
	v11 =	vmul.u32 $0x3FFC2000, v13;
	v14 =	vadd.s32 v19, v17  }
0x65: {  	vm1 =	vgt.s32 v15, $0x3DFFF;
	vm2 =	vgt.s32 v15, $0x7BFFF;
	vm3 =	vgt.s32 v15, $0xB9FFF  }
0x66: {  	v17 =	vmul.u32 $0x3FFC2000, v14;
	v19 =	vsel vm1, $0x1, v0;
	v20 =	vsel vm2, $0x1, v0  }
0x67: {  	[tilespmem:s20+$0xFFFFFFC0] =	vst v7;
	v21 =	vsel vm3, $0x1, v0;
	v7 =	vadd.s32 v16, v11;
	v19 =	vadd.s32 v20, v19  }
0x68: {  	[tilespmem:s20+$0xFFFFFFD0] =	vst v6;
	v6 =	vshll.u32 v7, $0x2;
	v19 =	vadd.s32 v21, v19;
	v7 =	vadd.s32 v10, v17  }
0x69: {  	vm1 =	vgt.s32 v18, $0x3DFFF;
	vm2 =	vgt.s32 v18, $0x7BFFF;
	v11 =	vmul.u32 $0x3FFC2000, v19  }
0x6a: {  	s21 =	simm.s32 $0x1C0;
	[tilespmem:s20+$0xFFFFFFE0] =	vst v8;
	v55 =	vsel vm1, $0x1, v0;
	v22 =	vsel vm2, $0x1, v0;
	vm1 =	vgt.s32 v18, $0xB9FFF  }
0x6b: {  	v20 =	vadd.s32 v22, v55;
	v56 =	vsel vm1, $0x1, v0;
	v8 =	vadd.s32 v15, v11;
	v11 =	vld [tilespmem:s21+$0xFFFFFFC0]  }
0x6c: {  	vm0 =	vgt.s32 v3, $0x7BFFF;
	v7 =	vshll.u32 v7, $0x2;
	v16 =	vadd.s32 v56, v20  }
0x6d: {  	v6 =	vadd.s32 v13, v6;
	v13 =	vadd.s32 v14, v7;
	v10 =	vmul.u32 $0x3FFC2000, v16  }
0x6e: {  	[tilespmem:s20+$0x0] =	vst v6;
	v7 =	vshll.u32 v8, $0x2;
	v8 =	vsel vm0, $0x1, v0;
	vm0 =	vgt.s32 v3, $0xB9FFF  }
0x6f: {  	v14 =	vld [tilespmem:s21+$0xFFFFFFD0];
	v9 =	vadd.s32 v8, v9;
	v6 =	vadd.s32 v18, v10;
	v10 =	vadd.s32 v19, v7  }
0x70: {  	v7 =	vmul.u32 $0x3FFC2000, v4;
	v6 =	vshll.u32 v6, $0x2;
	vm1 =	vgt.s32 v11, $0x7BFFF  }
0x71: {  	vm2 =	vgt.s32 v11, $0xB9FFF;
	v15 =	vadd.s32 v16, v6;
	v6 =	vsel vm0, $0x1, v0  }
0x72: {  	v8 =	vld [tilespmem:s21+$0xFFFFFFF0];
	[tilespmem:s20+$0x10] =	vst v13;
	vm0 =	vgt.s32 v11, $0x3DFFF;
	v13 =	vsel vm2, $0x1, v0;
	v5 =	vadd.s32 v6, v9  }
0x73: {  	v16 =	vld [tilespmem:s21+$0xFFFFFFE0];
	v6 =	vshll.u32 v12, $0x2;
	v9 =	vsel vm0, $0x1, v0;
	v12 =	vsel vm1, $0x1, v0  }
0x74: {  	[tilespmem:s20+$0x20] =	vst v10;
	vm0 =	vgt.s32 v14, $0x3DFFF;
	vm1 =	vgt.s32 v14, $0x7BFFF;
	v9 =	vadd.s32 v12, v9  }
0x75: {  	[tilespmem:s20+$0x30] =	vst v15;
	v12 =	vsel vm0, $0x1, v0;
	v17 =	vsel vm1, $0x1, v0;
	vm0 =	vgt.s32 v14, $0xB9FFF  }
0x76: {  	v18 =	vld [tilespmem:s21+$0x0];
	v9 =	vadd.s32 v13, v9;
	v12 =	vadd.s32 v17, v12;
	v13 =	vsel vm0, $0x1, v0  }
0x77: {  	vm1 =	vgt.s32 v8, $0x3DFFF;
	v57 =	vld [tilespmem:s21+$0x20];
	v10 =	vmul.u32 $0x3FFC2000, v9;
	v12 =	vadd.s32 v13, v12  }
0x78: {  	v13 =	vmul.u32 $0x3FFC2000, v12;
	vm0 =	vgt.s32 v16, $0x3DFFF;
	vm2 =	vgt.s32 v16, $0x7BFFF  }
0x79: {  	v15 =	vsel vm0, $0x1, v0;
	v17 =	vsel vm2, $0x1, v0;
	vm0 =	vgt.s32 v16, $0xB9FFF  }
0x7a: {  	v10 =	vadd.s32 v11, v10;
	v15 =	vadd.s32 v17, v15;
	v17 =	vsel vm0, $0x1, v0  }
0x7b: {  	vm0 =	vgt.s32 v8, $0x7BFFF;
	v11 =	vadd.s32 v14, v13;
	v10 =	vshll.u32 v10, $0x2  }
0x7c: {  	v14 =	vld [tilespmem:s21+$0x10];
	vm2 =	vgt.s32 v18, $0xB9FFF;
	vm3 =	vgt.s32 v57, $0xB9FFF;
	v13 =	vadd.s32 v17, v15  }
0x7d: {  	v11 =	vshll.u32 v11, $0x2;
	v17 =	vadd.s32 v9, v10;
	v9 =	vsel vm1, $0x1, v0  }
0x7e: {  	vm1 =	vgt.s32 v18, $0x3DFFF;
	v23 =	vsel vm3, $0x1, v0;
	v15 =	vmul.u32 $0x3FFC2000, v13  }
0x7f: {  	v19 =	vadd.s32 v12, v11;
	v10 =	vsel vm1, $0x1, v0;
	vm1 =	vgt.s32 v18, $0x7BFFF  }
0x80: {  	v12 =	vsel vm2, $0x1, v0;
	v11 =	vadd.s32 v16, v15;
	v15 =	vsel vm1, $0x1, v0  }
0x81: {  	vm1 =	vgt.s32 v14, $0x3DFFF;
	vm2 =	vgt.s32 v14, $0x7BFFF;
	v15 =	vadd.s32 v15, v10  }
0x82: {  	v10 =	vld [tilespmem:s21+$0x30];
	v60 =	vshll.u32 v11, $0x2;
	v16 =	vsel vm1, $0x1, v0;
	v58 =	vsel vm2, $0x1, v0  }
0x83: {  	vm1 =	vgt.s32 v14, $0xB9FFF;
	v15 =	vadd.s32 v12, v15;
	vm2 =	vgt.s32 v57, $0x7BFFF  }
0x84: {  	v16 =	vadd.s32 v58, v16;
	v59 =	vsel vm1, $0x1, v0;
	v12 =	vmul.u32 $0x3FFC2000, v15  }
0x85: {  	vm1 =	vgt.s32 v57, $0x3DFFF;
	v61 =	vsel vm2, $0x1, v0;
	v11 =	vadd.s32 v59, v16  }
0x86: {  	v16 =	vadd.s32 v13, v60;
	v13 =	vsel vm1, $0x1, v0;
	v21 =	vmul.u32 $0x3FFC2000, v11  }
0x87: {  	v13 =	vadd.s32 v61, v13;
	vm1 =	vgt.s32 v10, $0x3DFFF;
	vm2 =	vgt.s32 v10, $0x7BFFF  }
0x88: {  	v62 =	vsel vm1, $0x1, v0;
	v24 =	vsel vm2, $0x1, v0;
	vm1 =	vgt.s32 v10, $0xB9FFF  }
0x89: {  	v13 =	vadd.s32 v23, v13;
	v22 =	vadd.s32 v24, v62;
	v63 =	vsel vm1, $0x1, v0  }
0x8a: {  	[tilespmem:s21+$0xFFFFFFC0] =	vst v17;
	v17 =	vadd.s32 v18, v12;
	v18 =	vmul.u32 $0x3FFC2000, v13;
	v12 =	vadd.s32 v63, v22  }
0x8b: {  	[tilespmem:s21+$0xFFFFFFD0] =	vst v19;
	v17 =	vshll.u32 v17, $0x2;
	v19 =	vadd.s32 v14, v21;
	v14 =	vmul.u32 $0x3FFC2000, v12  }
0x8c: {  	s22 =	simm.s32 $0x18;
	s23 =	simm.s32 $0x240;
	[tilespmem:s21+$0xFFFFFFE0] =	vst v16;
	v15 =	vadd.s32 v15, v17;
	v16 =	vshll.u32 v19, $0x2;
	v17 =	vadd.s32 v57, v18  }
.LBB2_2:
0x8d: {  	v18 =	vld [tilespmem:s23+$0xFFFFFFC0];
	[tilespmem:s21+$0x0] =	vst v15;
	v11 =	vadd.s32 v11, v16;
	v15 =	vshll.u32 v17, $0x2;
	v10 =	vadd.s32 v10, v14  }
0x8e: {  	v16 =	vsel vm0, $0x1, v0;
	v14 =	vld [tilespmem:s23+$0xFFFFFFF0];
	[tilespmem:s21+$0x10] =	vst v11;
	v11 =	vadd.s32 v13, v15;
	v10 =	vshll.u32 v10, $0x2  }
0x8f: {  	vm0 =	vgt.s32 v8, $0xB9FFF;
	v9 =	vadd.s32 v16, v9;
	v13 =	vld [tilespmem:s23+$0xFFFFFFD0];
	[tilespmem:s21+$0x20] =	vst v11;
	v10 =	vadd.s32 v12, v10  }
0x90: {  	v11 =	vsel vm0, $0x1, v0;
	[tilespmem:s21+$0x30] =	vst v10;
	v10 =	vadd.s32 v1, v7;
	v7 =	vmul.u32 $0x3FFC2000, v5;
	v1 =	vmovc v3;
	v3 =	vmovc v8  }
0x91: {  	v15 =	vadd.s32 v2, v6;
	v2 =	vmovc v4;
	v4 =	vmovc v5;
	v5 =	vadd.s32 v11, v9;
	v6 =	vshll.u32 v10, $0x2  }
0x92: {  	vm0 =	vgt.s32 v18, $0x3DFFF;
	vm1 =	vgt.s32 v18, $0x7BFFF;
	vm2 =	vgt.s32 v18, $0xB9FFF;
	[tilespmem:s18+$0xFFFFFFF0] =	vst v15;
	s18 =	smov.u32 s19;
	s19 =	smov.u32 s20;
	s20 =	smov.u32 s21  }
0x93: {  	s21 =	smov.u32 s23;
	v9 =	vsel vm0, $0x1, v0;
	v10 =	vsel vm1, $0x1, v0;
	v11 =	vsel vm2, $0x1, v0;
	v12 =	vld [tilespmem:s23+$0xFFFFFFE0];
	v8 =	vmovc v14  }
0x94: {  	v9 =	vadd.s32 v10, v9;
	vm0 =	vgt.s32 v13, $0x3DFFF;
	vm1 =	vgt.s32 v13, $0x7BFFF  }
0x95: {  	v10 =	vsel vm0, $0x1, v0;
	v14 =	vsel vm1, $0x1, v0;
	vm0 =	vgt.s32 v13, $0xB9FFF  }
0x96: {  	v9 =	vadd.s32 v11, v9;
	v10 =	vadd.s32 v14, v10;
	v11 =	vsel vm0, $0x1, v0  }
0x97: {  	vm1 =	vgt.s32 v8, $0x3DFFF;
	v14 =	vmul.u32 $0x3FFC2000, v9;
	v10 =	vadd.s32 v11, v10  }
0x98: {  	v11 =	vmul.u32 $0x3FFC2000, v10;
	vm0 =	vgt.s32 v12, $0x3DFFF;
	vm2 =	vgt.s32 v12, $0x7BFFF  }
0x99: {  	v15 =	vsel vm0, $0x1, v0;
	v16 =	vsel vm2, $0x1, v0;
	vm0 =	vgt.s32 v12, $0xB9FFF;
	v17 =	vld [tilespmem:s23+$0x0]  }
0x9a: {  	v15 =	vadd.s32 v16, v15;
	v16 =	vsel vm0, $0x1, v0;
	vm0 =	vgt.s32 v8, $0x7BFFF  }
0x9b: {  	v14 =	vadd.s32 v18, v14;
	v11 =	vadd.s32 v13, v11;
	v13 =	vadd.s32 v16, v15;
	v15 =	vld [tilespmem:s23+$0x10]  }
0x9c: {  	v14 =	vshll.u32 v14, $0x2;
	v11 =	vshll.u32 v11, $0x2;
	v16 =	vmul.u32 $0x3FFC2000, v13  }
0x9d: {  	v14 =	vadd.s32 v9, v14;
	v9 =	vsel vm1, $0x1, v0;
	v18 =	vadd.s32 v10, v11  }
0x9e: {  	v11 =	vadd.s32 v12, v16;
	vm1 =	vgt.s32 v17, $0x3DFFF;
	vm2 =	vgt.s32 v17, $0xB9FFF  }
0x9f: {  	v10 =	vsel vm1, $0x1, v0;
	vm1 =	vgt.s32 v17, $0x7BFFF;
	v12 =	vsel vm2, $0x1, v0  }
0xa0: {  	v16 =	vsel vm1, $0x1, v0;
	vm1 =	vgt.s32 v15, $0x3DFFF;
	vm2 =	vgt.s32 v15, $0x7BFFF;
	v19 =	vld [tilespmem:s23+$0x20]  }
0xa1: {  	v20 =	vsel vm1, $0x1, v0;
	v21 =	vsel vm2, $0x1, v0;
	vm1 =	vgt.s32 v15, $0xB9FFF  }
0xa2: {  	s22 =	sadd.s32 $0x8, s22;
	v16 =	vadd.s32 v16, v10;
	v20 =	vadd.s32 v21, v20;
	v21 =	vsel vm1, $0x1, v0;
	v10 =	vld [tilespmem:s23+$0x30]  }
0xa3: {  	p0 =	slt.u32 s22, $0x638;
	v22 =	vshll.u32 v11, $0x2;
	v16 =	vadd.s32 v12, v16;
	v11 =	vadd.s32 v21, v20  }
0xa4: {  	v20 =	vadd.s32 v13, v22;
	v12 =	vmul.u32 $0x3FFC2000, v16;
	v21 =	vmul.u32 $0x3FFC2000, v11  }
0xa5: {  	vm1 =	vgt.s32 v19, $0x3DFFF;
	vm2 =	vgt.s32 v19, $0x7BFFF;
	vm3 =	vgt.s32 v19, $0xB9FFF  }
0xa6: {  	v13 =	vsel vm1, $0x1, v0;
	v22 =	vsel vm2, $0x1, v0;
	v23 =	vsel vm3, $0x1, v0  }
0xa7: {  	v13 =	vadd.s32 v22, v13;
	vm1 =	vgt.s32 v10, $0x3DFFF;
	vm2 =	vgt.s32 v10, $0x7BFFF  }
.Ltmp0:
0xa8: {  	v22 =	vsel vm1, $0x1, v0;
	v24 =	vsel vm2, $0x1, v0;
	vm1 =	vgt.s32 v10, $0xB9FFF;
	(pc) =	sbr.rel @p0 .LBB2_2-.Ltmp0, $4  }
0xa9: {  	v13 =	vadd.s32 v23, v13;
	v22 =	vadd.s32 v24, v22;
	v23 =	vsel vm1, $0x1, v0  }
0xaa: {  	[tilespmem:s23+$0xFFFFFFC0] =	vst v14;
	v14 =	vadd.s32 v17, v12;
	v17 =	vmul.u32 $0x3FFC2000, v13;
	v12 =	vadd.s32 v23, v22  }
0xab: {  	v21 =	vadd.s32 v15, v21;
	[tilespmem:s23+$0xFFFFFFD0] =	vst v18;
	v18 =	vshll.u32 v14, $0x2;
	v14 =	vmul.u32 $0x3FFC2000, v12  }
0xac: {  	s23 =	sadd.s32 $0x80, s23;
	[tilespmem:s21+$0xFFFFFFE0] =	vst v20;
	v15 =	vadd.s32 v16, v18;
	v16 =	vshll.u32 v21, $0x2;
	v17 =	vadd.s32 v19, v17  }
0xad: {  	v11 =	vadd.s32 v11, v16;
	v59 =	vshll.u32 v17, $0x2  }
0xae: {  	v10 =	vadd.s32 v10, v14;
	v60 =	vsel vm0, $0x1, v0;
	vm15 =	vgt.s32 v8, $0xB9FFF  }
0xaf: {  	[tilespmem:s21+$0x0] =	vst v15;
	v62 =	vmul.u32 $0x3FFC2000, v5;
	v9 =	vadd.s32 v60, v9;
	v61 =	vsel vm15, $0x1, v0  }
0xb0: {  	v13 =	vadd.s32 v13, v59;
	[tilespmem:s21+$0x10] =	vst v11;
	v10 =	vshll.u32 v10, $0x2;
	v9 =	vadd.s32 v61, v9  }
0xb1: {  	v1 =	vadd.s32 v1, v7;
	[tilespmem:s21+$0x20] =	vst v13;
	v10 =	vadd.s32 v12, v10;
	v63 =	vmul.u32 $0x3FFC2000, v9  }
0xb2: {  	v2 =	vadd.s32 v2, v6;
	v1 =	vshll.u32 v1, $0x2;
	v3 =	vadd.s32 v3, v62;
	[tilespmem:s21+$0x30] =	vst v10  }
0xb3: {  	v1 =	vadd.s32 v4, v1;
	[tilespmem:s18+$0xFFFFFFF0] =	vst v2;
	v2 =	vshll.u32 v3, $0x2;
	v3 =	vadd.s32 v8, v63  }
0xb4: {  	[tilespmem:s19+$0xFFFFFFF0] =	vst v1;
	v2 =	vadd.s32 v5, v2;
	v1 =	vshll.u32 v3, $0x2  }
0xb5: {  	[tilespmem:s20+$0xFFFFFFF0] =	vst v2;
	v1 =	vadd.s32 v9, v1  }
0xb6: {  	s18 =	simm.s32 $0x0;
	[tilespmem:s21+$0xFFFFFFF0] =	vst v1  }
0xb7: {  	[tilespmem:s9], [sflag:$0x1] =	stream.indirect.gather [hbm4b:s3+s8], $0x20, s18, s8, $0xb8;
	[tilespmem:$0xB600] =	vst v63  }
0xb8: {  	_ = 	snop  }
0xb9: {  	[tilespmem:s11], [sflag:$0x1] =	stream.indirect.gather [hbm4b:s3+s10], $0x20, s8, s10, $0xb8;
	[tilespmem:$0xB600] =	vst v63  }
.LBB2_4:
0xba: {  	s19 =	sshllo.u32 s18, $0x1  }
0xbb: {  	s20 =	smul.u32 $0x320, s19;
	_ =	sdelay $0x1  }
0xbc: {  	s20 =	sshra.s32 s20, $0x2  }
0xbd: {  	[tilespmem:s12], [sflag:$0x2] =	stream.indirect.gather [hbm4b:s3+s8], $0x20, s20, s8, $0xb8;
	[tilespmem:$0xB600] =	vst v63  }
0xbe: {  	s20 =	sadd.s32 $0x80, s20  }
0xbf: {  	[tilespmem:s13], [sflag:$0x2] =	stream.indirect.gather [hbm4b:s3+s10], $0x20, s20, s10, $0xb8;
	[tilespmem:$0xB600] =	vst v63  }
0xc0: {  	_ =	swait.ge [sflag:s14], $0x1000  }
0xc1: {  	[sflag:s14] =	ssyncset.done $0x0  }
0xc2: {  	[sflag:s14] =	ssyncadd.s32 $0xFFFFF000  }
0xc3: {  	_ =	swait.ge [sflag:s14], $0x900  }
0xc4: {  	[sflag:s14] =	ssyncset.done $0x0  }
0xc5: {  	s20 =	simm.s32 $0x0;
	[sflag:s14] =	ssyncadd.s32 $0xFFFFF700  }
0xc6: {  	v7 =	vld [tilespmem:s20+$0x64E0]  }
0xc7: {  	v8 =	vld [tilespmem:s20+$0x6460]  }
0xc8: {  	v4 =	vld [tilespmem:s20+$0x64C0]  }
0xc9: {  	v5 =	vld [tilespmem:s20+$0x6440]  }
0xca: {  	v10 =	vld [tilespmem:s20+$0x6480]  }
0xcb: {  	v11 =	vld [tilespmem:s20+$0x64A0]  }
0xcc: {  	v9 =	vld [tilespmem:s20+$0x6490]  }
0xcd: {  	v12 =	vld [tilespmem:s20+$0x6400]  }
0xce: {  	v13 =	vld [tilespmem:s20+$0x6420]  }
0xcf: {  	v3 =	vimm.f32 $0.0e+00;
	v14 =	vld [tilespmem:s20+$0x6410]  }
0xd0: {  	s21 =	simm.s32 $0x400;
	v6 =	vimm.f32 $0.0e+00;
	v2 =	vimm.f32 $0.0e+00;
	v1 =	vimm.f32 $0.0e+00;
	v15 =	vld [tilespmem:s20+$0x6430]  }
.LBB2_5:
0xd1: {  	p0 =	sne.s32 s21, $0x6000;
	v16 =	vld [tilespmem:s20+$0x64B0]  }
0xd2: {  	v17 =	vld [tilespmem:s20+$0x6450]  }
0xd3: {  	v18 =	vld [tilespmem:s20+$0x64D0]  }
0xd4: {  	v10 =	vadd.bf16 v11, v10;
	v19 =	vld [tilespmem:s20+$0x6470]  }
0xd5: {  	v11 =	vadd.bf16 v13, v12;
	v12 =	vadd.bf16 v15, v14;
	v13 =	vld [tilespmem:s20+$0x64F0];
	s20 =	sshra.s32 s21, $0x2  }
0xd6: {  	v10 =	vadd.bf16 v4, v10;
	v14 =	vld [tilespmem:s20+$0x64E0];
	v9 =	vadd.bf16 v16, v9  }
0xd7: {  	v11 =	vadd.bf16 v5, v11;
	v15 =	vld [tilespmem:s20+$0x6460];
	v12 =	vadd.bf16 v17, v12  }
0xd8: {  	v20 =	vadd.bf16 v7, v10;
	v4 =	vld [tilespmem:s20+$0x64C0];
	v9 =	vadd.bf16 v18, v9  }
0xd9: {  	v21 =	vadd.bf16 v8, v11;
	v5 =	vld [tilespmem:s20+$0x6440];
	v12 =	vadd.bf16 v19, v12  }
0xda: {  	v16 =	vunpack.i.u.bf16.f32 v20;
	v17 =	vunpack.i.l.bf16.f32 v20;
	v10 =	vld [tilespmem:s20+$0x6480];
	v18 =	vadd.bf16 v13, v9  }
0xdb: {  	v20 =	vunpack.i.l.bf16.f32 v21;
	v13 =	vunpack.i.u.bf16.f32 v21;
	v11 =	vld [tilespmem:s20+$0x64A0];
	v19 =	vunpack.i.u.bf16.f32 v12;
	v7 =	vmovc v14  }
.Ltmp1:
0xdc: {  	v3 =	vadd.f32 v20, v3;
	v6 =	vadd.f32 v13, v6;
	v13 =	vunpack.i.l.bf16.f32 v12;
	v9 =	vld [tilespmem:s20+$0x6490];
	v8 =	vmovc v15;
	(pc) =	sbr.rel @p0 .LBB2_5-.Ltmp1, $4  }
0xdd: {  	v2 =	vadd.f32 v13, v2;
	v1 =	vadd.f32 v19, v1;
	v15 =	vunpack.i.u.bf16.f32 v18;
	v12 =	vld [tilespmem:s20+$0x6400]  }
0xde: {  	v3 =	vadd.f32 v17, v3;
	v6 =	vadd.f32 v16, v6;
	v16 =	vunpack.i.l.bf16.f32 v18;
	v13 =	vld [tilespmem:s20+$0x6420]  }
0xdf: {  	v2 =	vadd.f32 v16, v2;
	v1 =	vadd.f32 v15, v1;
	v14 =	vld [tilespmem:s20+$0x6410]  }
0xe0: {  	s21 =	sadd.s32 $0x400, s21;
	v15 =	vld [tilespmem:s20+$0x6430]  }
0xe1: {  	v16 =	vld [tilespmem:s20+$0x64B0]  }
0xe2: {  	v17 =	vld [tilespmem:s20+$0x6450];
	v10 =	vadd.bf16 v11, v10  }
0xe3: {  	v18 =	vld [tilespmem:s20+$0x64D0];
	v11 =	vadd.bf16 v13, v12  }
0xe4: {  	v12 =	vld [tilespmem:s20+$0x6470];
	v4 =	vadd.bf16 v4, v10  }
0xe5: {  	v13 =	vadd.bf16 v15, v14;
	v5 =	vadd.bf16 v5, v11  }
0xe6: {  	v10 =	vld [tilespmem:s20+$0x64F0];
	v4 =	vadd.bf16 v7, v4;
	v9 =	vadd.bf16 v16, v9  }
0xe7: {  	v11 =	vadd.bf16 v17, v13;
	v5 =	vadd.bf16 v8, v5  }
0xe8: {  	v7 =	vadd.bf16 v18, v9  }
0xe9: {  	v9 =	vunpack.i.u.bf16.f32 v4;
	v8 =	vadd.bf16 v12, v11;
	v11 =	vunpack.i.l.bf16.f32 v5  }
0xea: {  	v4 =	vunpack.i.l.bf16.f32 v4;
	v5 =	vunpack.i.u.bf16.f32 v5;
	v3 =	vadd.f32 v11, v3  }
0xeb: {  	v7 =	vadd.bf16 v10, v7;
	v5 =	vadd.f32 v5, v6;
	v6 =	vunpack.i.l.bf16.f32 v8  }
0xec: {  	v8 =	vunpack.i.u.bf16.f32 v8;
	v2 =	vadd.f32 v6, v2;
	v3 =	vadd.f32 v4, v3  }
0xed: {  	v1 =	vadd.f32 v8, v1;
	v4 =	vadd.f32 v9, v5;
	v5 =	vunpack.i.l.bf16.f32 v7  }
0xee: {  	s31 =	sshll.u32 s18, $0x7;
	v6 =	vunpack.i.u.bf16.f32 v7;
	v2 =	vadd.f32 v5, v2;
	v3 =	vmul.f32 $4.999999890e-03, v3  }
0xef: {  	p0 =	seq.s32 s18, $0x3F;
	s20 =	sand.u32 $0x3FFFFF80, s31;
	v1 =	vadd.f32 v6, v1;
	v4 =	vmul.f32 $4.999999890e-03, v4  }
0xf0: {  	s21 =	smul.u32 @!p0 $0x640, s18;
	[tilespmem:s20+$0x9600] =	vst v3;
	v2 =	vmul.f32 $4.999999890e-03, v2  }
0xf1: {  	[tilespmem:s20+$0x9610] =	vst v4;
	v1 =	vmul.f32 $4.999999890e-03, v1  }
0xf2: {  	s21 =	sshra.s32 @!p0 s21, $0x2;
	[tilespmem:s20+$0x9620] =	vst v2  }
0xf3: {  	s22 =	simm.s32 @!p0 $0x80;
	s23 =	simm.s32 @!p0 $0x6400;
	[tilespmem:s20+$0x9630] =	vst v1;
	s20 =	sadd.s32 @!p0 $0x190, s21  }
0xf4: {  	[tilespmem:s23], [sflag:$0x1] =	stream.indirect.gather @!p0 [hbm4b:s3+s22], $0x20, s20, s22, $0xb8;
	[tilespmem:$0xB600] =	vst v63  }
0xf5: {  	s20 =	sadd.s32 @!p0 $0x210, s21;
	s21 =	simm.s32 @!p0 $0x48;
	s22 =	simm.s32 @!p0 $0x7400  }
0xf6: {  	[tilespmem:s22], [sflag:$0x1] =	stream.indirect.gather @!p0 [hbm4b:s3+s21], $0x20, s20, s21, $0xb8;
	[tilespmem:$0xB600] =	vst v63  }
0xf7: {  	_ =	swait.ge [sflag:s15], $0x1000  }
0xf8: {  	[sflag:s15] =	ssyncset.done $0x0  }
0xf9: {  	[sflag:s15] =	ssyncadd.s32 $0xFFFFF000  }
0xfa: {  	_ =	swait.ge [sflag:s15], $0x900  }
0xfb: {  	[sflag:s15] =	ssyncset.done $0x0  }
0xfc: {  	s20 =	simm.s32 $0x0;
	[sflag:s15] =	ssyncadd.s32 $0xFFFFF700  }
0xfd: {  	v7 =	vld [tilespmem:s20+$0x7DE0]  }
0xfe: {  	v8 =	vld [tilespmem:s20+$0x7D60]  }
0xff: {  	v4 =	vld [tilespmem:s20+$0x7DC0]  }
0x100: {  	v5 =	vld [tilespmem:s20+$0x7D40]  }
0x101: {  	v10 =	vld [tilespmem:s20+$0x7D80]  }
0x102: {  	v11 =	vld [tilespmem:s20+$0x7DA0]  }
0x103: {  	v9 =	vld [tilespmem:s20+$0x7D90]  }
0x104: {  	v12 =	vld [tilespmem:s20+$0x7D00]  }
0x105: {  	v13 =	vld [tilespmem:s20+$0x7D20]  }
0x106: {  	v6 =	vimm.f32 $0.0e+00;
	v14 =	vld [tilespmem:s20+$0x7D10]  }
0x107: {  	v3 =	vimm.f32 $0.0e+00;
	v2 =	vimm.f32 $0.0e+00;
	v1 =	vimm.f32 $0.0e+00;
	s21 =	simm.s32 $0x400;
	v15 =	vld [tilespmem:s20+$0x7D30]  }
.LBB2_7:
0x108: {  	p0 =	sne.s32 s21, $0x6000;
	v16 =	vld [tilespmem:s20+$0x7DB0]  }
0x109: {  	v17 =	vld [tilespmem:s20+$0x7D50]  }
0x10a: {  	v18 =	vld [tilespmem:s20+$0x7DD0]  }
0x10b: {  	v10 =	vadd.bf16 v11, v10;
	v19 =	vld [tilespmem:s20+$0x7D70]  }
0x10c: {  	v11 =	vadd.bf16 v13, v12;
	v12 =	vadd.bf16 v15, v14;
	v13 =	vld [tilespmem:s20+$0x7DF0];
	s20 =	sshra.s32 s21, $0x2  }
0x10d: {  	v10 =	vadd.bf16 v4, v10;
	v14 =	vld [tilespmem:s20+$0x7DE0];
	v9 =	vadd.bf16 v16, v9  }
0x10e: {  	v11 =	vadd.bf16 v5, v11;
	v15 =	vld [tilespmem:s20+$0x7D60];
	v12 =	vadd.bf16 v17, v12  }
0x10f: {  	v20 =	vadd.bf16 v7, v10;
	v4 =	vld [tilespmem:s20+$0x7DC0];
	v9 =	vadd.bf16 v18, v9  }
0x110: {  	v21 =	vadd.bf16 v8, v11;
	v5 =	vld [tilespmem:s20+$0x7D40];
	v12 =	vadd.bf16 v19, v12  }
0x111: {  	v16 =	vunpack.i.u.bf16.f32 v20;
	v17 =	vunpack.i.l.bf16.f32 v20;
	v10 =	vld [tilespmem:s20+$0x7D80];
	v18 =	vadd.bf16 v13, v9  }
0x112: {  	v20 =	vunpack.i.l.bf16.f32 v21;
	v13 =	vunpack.i.u.bf16.f32 v21;
	v11 =	vld [tilespmem:s20+$0x7DA0];
	v19 =	vunpack.i.u.bf16.f32 v12;
	v7 =	vmovc v14  }
.Ltmp2:
0x113: {  	v3 =	vadd.f32 v20, v3;
	v6 =	vadd.f32 v13, v6;
	v13 =	vunpack.i.l.bf16.f32 v12;
	v9 =	vld [tilespmem:s20+$0x7D90];
	v8 =	vmovc v15;
	(pc) =	sbr.rel @p0 .LBB2_7-.Ltmp2, $4  }
0x114: {  	v2 =	vadd.f32 v13, v2;
	v1 =	vadd.f32 v19, v1;
	v15 =	vunpack.i.u.bf16.f32 v18;
	v12 =	vld [tilespmem:s20+$0x7D00]  }
0x115: {  	v3 =	vadd.f32 v17, v3;
	v6 =	vadd.f32 v16, v6;
	v16 =	vunpack.i.l.bf16.f32 v18;
	v13 =	vld [tilespmem:s20+$0x7D20]  }
0x116: {  	v2 =	vadd.f32 v16, v2;
	v1 =	vadd.f32 v15, v1;
	v14 =	vld [tilespmem:s20+$0x7D10]  }
0x117: {  	s21 =	sadd.s32 $0x400, s21;
	v15 =	vld [tilespmem:s20+$0x7D30]  }
0x118: {  	v16 =	vld [tilespmem:s20+$0x7DB0]  }
0x119: {  	v17 =	vld [tilespmem:s20+$0x7D50];
	v10 =	vadd.bf16 v11, v10  }
0x11a: {  	v18 =	vld [tilespmem:s20+$0x7DD0];
	v51 =	vadd.bf16 v13, v12  }
0x11b: {  	v52 =	vld [tilespmem:s20+$0x7D70];
	v4 =	vadd.bf16 v4, v10  }
0x11c: {  	v53 =	vadd.bf16 v15, v14;
	v5 =	vadd.bf16 v5, v51  }
0x11d: {  	v54 =	vld [tilespmem:s20+$0x7DF0];
	v4 =	vadd.bf16 v7, v4;
	v9 =	vadd.bf16 v16, v9  }
0x11e: {  	v55 =	vadd.bf16 v17, v53;
	v5 =	vadd.bf16 v8, v5  }
0x11f: {  	v58 =	vunpack.i.u.bf16.f32 v4  }
0x120: {  	v56 =	vadd.bf16 v18, v9;
	v57 =	vadd.bf16 v52, v55;
	v59 =	vunpack.i.l.bf16.f32 v5  }
0x121: {  	v4 =	vunpack.i.l.bf16.f32 v4;
	v5 =	vunpack.i.u.bf16.f32 v5;
	v3 =	vadd.f32 v59, v3  }
0x122: {  	v7 =	vadd.bf16 v54, v56;
	v5 =	vadd.f32 v5, v6;
	v60 =	vunpack.i.l.bf16.f32 v57  }
0x123: {  	v8 =	vunpack.i.u.bf16.f32 v57;
	v2 =	vadd.f32 v60, v2;
	v3 =	vadd.f32 v4, v3  }
0x124: {  	s18 =	sadd.s32 $0x1, s18;
	v1 =	vadd.f32 v8, v1;
	v61 =	vadd.f32 v58, v5;
	v62 =	vunpack.i.l.bf16.f32 v7  }
0x125: {  	s19 =	sshll.u32 s19, $0x6;
	p0 =	sne.s32 s18, $0x40;
	v63 =	vunpack.i.u.bf16.f32 v7;
	v2 =	vadd.f32 v62, v2;
	v3 =	vmul.f32 $4.999999890e-03, v3  }
.Ltmp3:
0x126: {  	s19 =	sand.u32 $0x3FFFFFC0, s19;
	v1 =	vadd.f32 v63, v1;
	v4 =	vmul.f32 $4.999999890e-03, v61;
	(pc) =	sbr.rel @p0 .LBB2_4-.Ltmp3, $4  }
0x127: {  	[tilespmem:s19+$0x9600] =	vst v3;
	v2 =	vmul.f32 $4.999999890e-03, v2  }
0x128: {  	[tilespmem:s19+$0x9610] =	vst v4;
	v1 =	vmul.f32 $4.999999890e-03, v1  }
0x129: {  	[tilespmem:s19+$0x9620] =	vst v2  }
0x12a: {  	[tilespmem:s19+$0x9630] =	vst v1  }
0x12b: {  	s17 =	sadd.s32 $0x1, s17  }
0x12c: {  	p0 =	sne.s32 s17, s6  }
.Ltmp4:
0x12d: {  	_ = 	snop;
	(pc) =	sbr.rel @p0 .LBB2_1-.Ltmp4, $4  }
0x12e: {  	[hbm4b:s5+s2] =	stream.linear.scatter [tilespmem:s16], [sflag:$0x3], $0x2000, $0x38;
	[tilespmem:$0xB600] =	vst v63  }
0x12f: {  	_ =	swait.ge [sflag:s7], $0x2000  }
0x130: {  	[sflag:s7] =	ssyncset.done $0x0  }
0x131: {  	[sflag:s7] =	ssyncadd.s32 $0xFFFFE000  }
0x132: {  	_ =	sfence.sel $0x180000  }
0x133: {  	[bflag:$0x0] =	sbarrier.arrive $0xFFFF  }
0x134: {  	p0 =	sne.s32 s0, $0x0;
	_ =	strace $0x90000047  }
0x135: {  	s0 =	sadd.s32 @!p0 $0x100000, s1;
	[bflag:$0x2] =	sbarrier.arrive $0xFFFF  }
0x136: {  	[sflag:s0] =	ssyncadd.tile.s32 @!p0 $0x1;
	_ =	shalt  }
.Lfunc_end2:
_tile_overlayer_lowered:
.L_overlay_start_2:
0x137: {  	(tag) =	ssettag $0x2  }
0x138: {  	s0 =	rddreg [dreg:$0x0];
	s2 =	stileid.u32  }
0x139: {  	s1 =	rddreg [dreg:$0x1];
	p0 =	sne.s32 s2, $0x0  }
0x13a: {  	s3 =	rddreg [dreg:$0x2];
	[bflag:$0x3] =	sbarrier.arrive $0xFFFF;
	s2 =	simm.s32 @!p0 $0x1C03  }
0x13b: {  	[timem:s3], [sflag:s2] =	dma.local @!p0 [hbm:s0], s1  }
0x13c: {  	s0 =	simm.s32 @!p0 $0x3  }
0x13d: {  	_ =	swait.ge @!p0 [sflag:s0], s1  }
0x13e: {  	s1 =	ssub.s32 @!p0 $0x0, s1;
	[sflag:s0] =	ssyncset.done @!p0 $0x0  }
0x13f: {  	[sflag:s0] =	ssyncadd.s32 @!p0 s1  }
0x140: {  	[bflag:$0x3] =	sbarrier.arrive $0xFFFF  }
0x141: {  	_ =	shalt  }

</sc_bundles>
